<compile_context>
chip_gen: v7x
topology: tpu7x:2x2x1
jax: 0.10.2.dev20260603
libtpu: 0.0.44.dev20260713+nightly
codegen_flags: <defaults>
</compile_context>

<pallas_src>
import functools

import jax
import jax.numpy as jnp
from jax import lax
from jax.experimental import pallas as pl
from jax.experimental.pallas import tpu as pltpu
from jax.experimental.pallas import tpu_sc as plsc

VOXEL_SIZE = 0.04
N_VIEWS = 3
W = 640
H = 480
HW = H * W
DEPTH_MIN = 0.001
DEPTH_MAX = 4.0

NP = 102400
ROWS = NP // 128
CHUNK = 4096
NCHUNK = NP // CHUNK

NC = 2
NS = 16
NREG = 10
RSIZE = HW // NREG


def _proj_body(p_ref, x_ref, y_ref, z_ref, flat_ref, val_ref):
    x = x_ref[...]
    y = y_ref[...]
    z = z_ref[...]
    a00 = p_ref[0, 0, 0]; a01 = p_ref[0, 0, 1]; a02 = p_ref[0, 0, 2]
    a10 = p_ref[0, 0, 3]; a11 = p_ref[0, 0, 4]; a12 = p_ref[0, 0, 5]
    a20 = p_ref[0, 0, 6]; a21 = p_ref[0, 0, 7]; a22 = p_ref[0, 0, 8]
    b0 = p_ref[0, 0, 9]; b1 = p_ref[0, 0, 10]; b2 = p_ref[0, 0, 11]
    fx = p_ref[0, 0, 12]; fy = p_ref[0, 0, 13]; cx = p_ref[0, 0, 14]; cy = p_ref[0, 0, 15]
    ox = p_ref[0, 0, 17]; oy = p_ref[0, 0, 18]; oz = p_ref[0, 0, 19]
    wx = x * VOXEL_SIZE + ox
    wy = y * VOXEL_SIZE + oy
    wz = z * VOXEL_SIZE + oz
    camx = wx * a00 + wy * a01 + wz * a02 + b0
    camy = wx * a10 + wy * a11 + wz * a12 + b1
    camz = wx * a20 + wy * a21 + wz * a22 + b2
    zs = jnp.where(jnp.abs(camz) > 1e-6, camz, 1e-6)
    u = fx * camx / zs + cx
    v = fy * camy / zs + cy
    ui = jnp.round(jnp.clip(u, -4.0, W + 8.0)).astype(jnp.int32)
    vi = jnp.round(jnp.clip(v, -4.0, H + 8.0)).astype(jnp.int32)
    rid = lax.broadcasted_iota(jnp.int32, (ROWS, 128), 0)
    cid = lax.broadcasted_iota(jnp.int32, (ROWS, 128), 1)
    pid = rid * 128 + cid
    valid = ((camz > DEPTH_MIN) & (camz < DEPTH_MAX)
             & (ui >= 0) & (ui < W) & (vi >= 0) & (vi < H)
             & (pid < p_ref[0, 0, 16].astype(jnp.int32)))
    flat_ref[0] = jnp.where(valid, vi * W + ui, 0)
    val_ref[0] = jnp.where(valid, camz, jnp.inf)


def _project(params, xs, ys, zs):
    return pl.pallas_call(
        _proj_body,
        grid=(N_VIEWS,),
        in_specs=[
            pl.BlockSpec((1, 1, 32), lambda v: (v, 0, 0), memory_space=pltpu.SMEM),
            pl.BlockSpec((ROWS, 128), lambda v: (0, 0)),
            pl.BlockSpec((ROWS, 128), lambda v: (0, 0)),
            pl.BlockSpec((ROWS, 128), lambda v: (0, 0)),
        ],
        out_specs=[
            pl.BlockSpec((1, ROWS, 128), lambda v: (v, 0, 0)),
            pl.BlockSpec((1, ROWS, 128), lambda v: (v, 0, 0)),
        ],
        out_shape=[
            jax.ShapeDtypeStruct((N_VIEWS, ROWS, 128), jnp.int32),
            jax.ShapeDtypeStruct((N_VIEWS, ROWS, 128), jnp.float32),
        ],
    )(params, xs, ys, zs)


NPTS = N_VIEWS * NP
SLICE = NPTS // NS
CA = 3840
SALIGN = 16
CSEG = 512
CB = 2048
CAP = NPTS + NS * CSEG + CB
NPAIR = N_VIEWS * NREG


def _scatter_body(flat_hbm, val_hbm, out_hbm,
                  idxb, valb, clidx, clval, bufB, shidx, shval, cnt):
    cid = lax.axis_index("c")
    sid = lax.axis_index("s")

    @pl.when(sid == 0)
    def _():
        cnt[0] = jnp.int32(0)
    plsc.subcore_barrier()

    sbase = sid * SLICE

    def chunkA(k, cur):
        pltpu.sync_copy(flat_hbm.at[pl.ds(sbase + k * CA, CA)], idxb.at[pl.ds(0, CA)])
        pltpu.sync_copy(val_hbm.at[pl.ds(sbase + k * CA, CA)], valb.at[pl.ds(0, CA)])

        @plsc.parallel_loop(0, CA // 16, 1, unroll=8, carry=cur)
        def vb(i, cur2):
            idx = idxb[pl.ds(i * 16, 16)]
            vv = valb[pl.ds(i * 16, 16)]
            keep = vv < jnp.inf
            plsc.store_compressed(clidx.at[pl.ds(cur2, 16)], idx, mask=keep)
            plsc.store_compressed(clval.at[pl.ds(cur2, 16)], vv, mask=keep)
            return cur2 + plsc.all_reduce_population_count(keep)[0]
        return vb
    nv = lax.fori_loop(0, SLICE // CA, chunkA, jnp.int32(0))

    aligned = ((nv + SALIGN - 1) // SALIGN) * SALIGN
    clidx[pl.ds(nv, 16)] = jnp.zeros((16,), jnp.int32)
    clval[pl.ds(nv, 16)] = jnp.full((16,), jnp.inf, jnp.float32)

    off = pl.multiple_of(plsc.fetch_and_add(cnt, aligned, subcore_id=0), SALIGN)

    nbig = aligned // CSEG

    def copybig(j, c):
        pltpu.sync_copy(clidx.at[pl.ds(j * CSEG, CSEG)],
                        shidx.at[pl.ds(off + j * CSEG, CSEG)])
        pltpu.sync_copy(clval.at[pl.ds(j * CSEG, CSEG)],
                        shval.at[pl.ds(off + j * CSEG, CSEG)])
        return c
    lax.fori_loop(0, nbig, copybig, 0)

    def copytail(t, c):
        src = nbig * CSEG + t * SALIGN
        pltpu.sync_copy(clidx.at[pl.ds(src, SALIGN)],
                        shidx.at[pl.ds(off + src, SALIGN)])
        pltpu.sync_copy(clval.at[pl.ds(src, SALIGN)],
                        shval.at[pl.ds(off + src, SALIGN)])
        return c
    lax.fori_loop(0, (aligned - nbig * CSEG) // SALIGN, copytail, 0)
    plsc.subcore_barrier()
    total = plsc.fetch_and_add(cnt, 0, subcore_id=0)

    @pl.when(sid < NPAIR // NC)
    def _():
        base = (cid * (NPAIR // NC) + sid) * RSIZE

        @plsc.parallel_loop(0, RSIZE // 16, 1, unroll=8)
        def initb(i):
            bufB[pl.ds(i * 16, 16)] = jnp.full((16,), jnp.inf, jnp.float32)

        def ck(k, c):
            pltpu.sync_copy(shidx.at[pl.ds(k * CB, CB)], idxb.at[pl.ds(0, CB)])
            pltpu.sync_copy(shval.at[pl.ds(k * CB, CB)], valb.at[pl.ds(0, CB)])
            nhere = jnp.minimum(CB, total - k * CB)

            def vb2(i, c2):
                idx = idxb[pl.ds(i * 16, 16)]
                vv = valb[pl.ds(i * 16, 16)]
                m = (idx >= base) & (idx < base + RSIZE)
                key = jnp.where(m, vv, jnp.inf)
                ks, ls = plsc.sort_key_val(key, idx - base, descending=True)
                mask2 = ks < jnp.inf
                locs = jnp.where(mask2, ls, 0)
                curv = plsc.load_gather(bufB, [locs])
                w = mask2 & (ks < curv)
                plsc.store_scatter(bufB, [locs], ks, mask=w)
                return c2
            lax.fori_loop(0, nhere // 16, vb2, 0)
            return c
        lax.fori_loop(0, (total + CB - 1) // CB, ck, 0)

        pltpu.sync_copy(bufB, out_hbm.at[pl.ds(base, RSIZE)])


def _scatter_min(gflat, gvals):
    mesh = plsc.VectorSubcoreMesh(
        core_axis_name="c", subcore_axis_name="s", num_cores=NC, num_subcores=NS)
    fn = pl.kernel(
        _scatter_body,
        out_type=jax.ShapeDtypeStruct((NPAIR * RSIZE,), jnp.float32),
        mesh=mesh,
        scratch_types=[
            pltpu.VMEM((CA,), jnp.int32),
            pltpu.VMEM((CA,), jnp.float32),
            pltpu.VMEM((SLICE + SALIGN + 32,), jnp.int32),
            pltpu.VMEM((SLICE + SALIGN + 32,), jnp.float32),
            pltpu.VMEM((RSIZE,), jnp.float32),
            pltpu.VMEM_SHARED((CAP,), jnp.int32),
            pltpu.VMEM_SHARED((CAP,), jnp.float32),
            pltpu.SMEM((1,), jnp.int32),
        ],
        compiler_params=pltpu.CompilerParams(needs_layout_passes=False),
    )
    return fn(gflat, gvals)


def _loss_body(rd_ref, dt_ref, loss_ref, dep_ref):
    total = jnp.float32(0.0)
    for v in range(N_VIEWS):
        rd = rd_ref[v]
        dt = dt_ref[v]
        hit = rd != jnp.inf
        valid = hit & (dt != 0.0)
        cnt = jnp.sum(valid.astype(jnp.float32))
        rd0 = jnp.where(valid, rd, 0.0)
        dt0 = jnp.where(valid, dt, 0.0)
        mn_r = jnp.min(jnp.where(valid, rd0, jnp.inf))
        mn_r = jnp.where(jnp.isfinite(mn_r), mn_r, 0.0)
        sh_r = rd0 - mn_r
        mx_r = jnp.max(jnp.where(valid, sh_r, -jnp.inf))
        mx_r = jnp.where((mx_r > 0) & jnp.isfinite(mx_r), mx_r, 1.0)
        mn_d = jnp.min(jnp.where(valid, dt0, jnp.inf))
        mn_d = jnp.where(jnp.isfinite(mn_d), mn_d, 0.0)
        sh_d = dt0 - mn_d
        mx_d = jnp.max(jnp.where(valid, sh_d, -jnp.inf))
        mx_d = jnp.where((mx_d > 0) & jnp.isfinite(mx_d), mx_d, 1.0)
        diff = jnp.abs(sh_r / mx_r - sh_d / mx_d)
        term = jnp.sum(jnp.where(valid, diff, 0.0)) / jnp.maximum(cnt, 1.0)
        total = total + jnp.where(cnt > 0, term, 0.0) / N_VIEWS
        dep_ref[v] = jnp.where(hit, rd, 0.0)
    loss_ref[0, 0] = total


def _loss_finalize(rd, dt):
    return pl.pallas_call(
        _loss_body,
        out_shape=[
            jax.ShapeDtypeStruct((1, 1), jnp.float32),
            jax.ShapeDtypeStruct((N_VIEWS, H, W), jnp.float32),
        ],
        out_specs=[
            pl.BlockSpec(memory_space=pltpu.SMEM),
            pl.BlockSpec(memory_space=pltpu.VMEM),
        ],
    )(rd, dt)


def kernel(coords, origin, sdf, depths_target, feats, intrinsics_matrix, view_matrix):
    n = coords.shape[0]
    c = coords[:, 1:]
    locs = jnp.concatenate(
        [c[:, 2:3], c[:, 1:2], c[:, 0:1], jnp.zeros((n, 1), c.dtype)], axis=1)
    xyz = jnp.stack([locs[:, 2], locs[:, 1], locs[:, 0]], axis=1).astype(jnp.float32)
    world = xyz * VOXEL_SIZE + origin[0][None, :]
    flats, valss = [], []
    for view_idx in range(N_VIEWS):
        view = view_matrix[0, view_idx]
        kk = intrinsics_matrix[0, view_idx]
        intr = jnp.stack([kk[0, 0], kk[1, 1], kk[0, 2], kk[1, 2]])
        cam = world @ view[:3, :3].T + view[:3, 3][None, :]
        z = cam[:, 2]
        zs = jnp.where(jnp.abs(z) > 1e-6, z, 1e-6)
        u = intr[0] * cam[:, 0] / zs + intr[2]
        v = intr[1] * cam[:, 1] / zs + intr[3]
        ui = jnp.round(u).astype(jnp.int32)
        vi = jnp.round(v).astype(jnp.int32)
        valid = ((z > DEPTH_MIN) & (z < DEPTH_MAX)
                 & (ui >= 0) & (ui < W) & (vi >= 0) & (vi < H))
        flats.append(jnp.where(valid, vi * W + ui, 0))
        valss.append(jnp.where(valid, z, jnp.inf))
    flat = jnp.pad(jnp.stack(flats), ((0, 0), (0, NP - n)))
    vals = jnp.pad(jnp.stack(valss), ((0, 0), (0, NP - n)),
                   constant_values=jnp.inf)
    gflat = (flat + jnp.arange(N_VIEWS, dtype=jnp.int32)[:, None] * HW).reshape(NPTS)
    rd = _scatter_min(gflat, vals.reshape(NPTS)).reshape(N_VIEWS, H, W)
    loss2d, depths = _loss_finalize(rd, depths_target[0])
    return (loss2d[0, 0], depths[None], depths_target)

# --- scband reference (transcript-rebuilt; emitter-appended) ---
"""Pipeline reference for scband-diff-renderer-46196668236074 (READ-ONLY COPY).

The authoritative reference and input builder live on the scoring server;
editing this copy changes nothing except your own understanding.
"""

import jax, jax.numpy as jnp
import numpy as np

VOXEL_SIZE = 0.04
DIMS = (96, 96, 96)
N_VIEWS = 3
W = 640
H = 480
WEIGHT = 1.0
DEPTH_MIN = 0.001
DEPTH_MAX = 4.0
NEG_INF = -jnp.inf


def setup_inputs(seed: int = 0) -> dict:
    key = jax.random.key(seed)
    ks = jax.random.split(key, 8)
    N = 100000
    coords = jax.random.randint(ks[0], (N, 4), 0, 96)
    origin = jax.random.normal(ks[1], (1, 3), jnp.float32)
    sdf = jax.random.normal(ks[2], (N, 1), jnp.float32)
    depths_target = jax.random.uniform(ks[3], (1, N_VIEWS, H, W), jnp.float32)
    feats = jax.random.normal(ks[4], (N, 9), jnp.float32)
    intrinsics_matrix = jax.random.normal(ks[5], (1, N_VIEWS, 4, 4), jnp.float32)
    view_matrix = jax.random.normal(ks[6], (1, N_VIEWS, 4, 4), jnp.float32)
    return {"coords": coords, "origin": origin, "sdf": sdf, "depths_target": depths_target, "feats": feats, "intrinsics_matrix": intrinsics_matrix, "view_matrix": view_matrix}


def compute_normals_sparse(locs, sdf_vals, transform):
    D0, D1, D2 = DIMS
    grid = jnp.zeros((1, 1, D0, D1, D2), jnp.float32)
    grid = grid.at[locs[:, 3], 0, locs[:, 0], locs[:, 1], locs[:, 2]].set(sdf_vals[:, 0])
    sdfx = grid[:, :, 1:D0 - 1, 1:D1 - 1, 2:D2] - grid[:, :, 1:D0 - 1, 1:D1 - 1, 0:D2 - 2]
    sdfy = grid[:, :, 1:D0 - 1, 2:D1, 1:D2 - 1] - grid[:, :, 1:D0 - 1, 0:D1 - 2, 1:D2 - 1]
    sdfz = grid[:, :, 2:D0, 1:D1 - 1, 1:D2 - 1] - grid[:, :, 0:D0 - 2, 1:D1 - 1, 1:D2 - 1]
    normals = jnp.concatenate([sdfx, sdfy, sdfz], axis=1)
    normals = jnp.pad(normals, ((0, 0), (0, 0), (1, 1), (1, 1), (1, 1)), constant_values=NEG_INF)
    n = normals[locs[:, 3], :, locs[:, 0], locs[:, 1], locs[:, 2]]
    n = jnp.where(n == NEG_INF, 0.0, n)
    n = (transform[:3, :3] @ n.T).T
    nrm = jnp.sqrt(jnp.sum(n * n, axis=1, keepdims=True) + 1e-12)
    return -(n / jnp.maximum(nrm, 1e-5))


def raycast_depth_splat(locs, view, intr, origin_b):
    xyz = jnp.stack([locs[:, 2], locs[:, 1], locs[:, 0]], axis=1).astype(jnp.float32)
    world = xyz * VOXEL_SIZE + origin_b[None, :]
    cam = world @ view[:3, :3].T + view[:3, 3][None, :]
    z = cam[:, 2]
    zs = jnp.where(jnp.abs(z) > 1e-6, z, 1e-6)
    u = intr[0] * cam[:, 0] / zs + intr[2]
    v = intr[1] * cam[:, 1] / zs + intr[3]
    ui = jnp.round(u).astype(jnp.int32)
    vi = jnp.round(v).astype(jnp.int32)
    valid = (z > DEPTH_MIN) & (z < DEPTH_MAX) & (ui >= 0) & (ui < W) & (vi >= 0) & (vi < H)
    flat = jnp.where(valid, vi * W + ui, 0)
    vals = jnp.where(valid, z, jnp.inf)
    dm = jnp.full((H * W,), jnp.inf, jnp.float32).at[flat].min(vals)
    return jnp.where(jnp.isinf(dm), NEG_INF, dm).reshape(1, H, W)


def _masked_normalize(x, m):
    mn = jnp.min(jnp.where(m, x, jnp.inf))
    mn = jnp.where(jnp.isfinite(mn), mn, 0.0)
    sh = x - mn
    mx = jnp.max(jnp.where(m, sh, -jnp.inf))
    mx = jnp.where((mx > 0) & jnp.isfinite(mx), mx, 1.0)
    return sh / mx


def forward(coords, origin, sdf, depths_target, feats, intrinsics_matrix, view_matrix):
    loss = jnp.float32(0.0)
    depths_all = []
    bs = 1
    for b in range(bs):
        c = coords[:, 1:]
        N = c.shape[0]
        locs = jnp.concatenate([c[:, 2:3], c[:, 1:2], c[:, 0:1], jnp.zeros((N, 1), c.dtype)], axis=1)
        views_d = []
        for view_idx in range(N_VIEWS):
            view = view_matrix[b, view_idx]
            K = intrinsics_matrix[b, view_idx]
            intr = jnp.stack([K[0, 0], K[1, 1], K[0, 2], K[1, 2]])
            _normals = compute_normals_sparse(locs, sdf, view)
            rd = raycast_depth_splat(locs, view, intr, origin[b])
            dt = depths_target[b, view_idx][None]
            valid = (rd != NEG_INF) & (dt != 0)
            cnt = jnp.sum(valid)
            rd0 = jnp.where(valid, rd, 0.0)
            dt0 = jnp.where(valid, dt, 0.0)
            term = jnp.sum(jnp.abs(_masked_normalize(rd0, valid) - _masked_normalize(dt0, valid)) * valid) / jnp.maximum(cnt, 1)
            loss = loss + jnp.where(cnt > 0, term, 0.0) * WEIGHT / N_VIEWS
            views_d.append(jnp.where(rd == NEG_INF, 0.0, rd)[0])
        depths_all.append(jnp.stack(views_d, axis=0))
    depths = jnp.stack(depths_all, axis=0)
    return (loss, depths, depths_target)


def reference(coords, origin, sdf, depths_target, feats, intrinsics_matrix, view_matrix):
    return forward(coords, origin, sdf, depths_target, feats, intrinsics_matrix, view_matrix)

if __name__ == "__main__":
    import jax
    _d = setup_inputs()
    print(jax.jit(kernel)(*tuple(_d.values())))

</pallas_src>

<mosaic_0001>
#map = affine_map<(d0, d1) -> (0)>
module attributes {stable_mosaic.version = 14 : i64} {
  func.func @_scatter_body(%arg0: i32, %arg1: i32, %arg2: memref<307200xi32, #tpu.memory_space<hbm>>, %arg3: memref<307200xf32, #tpu.memory_space<hbm>>, %arg4: memref<921600xf32, #tpu.memory_space<hbm>>, %arg5: memref<3840xi32, #tpu.memory_space<vmem>>, %arg6: memref<3840xf32, #tpu.memory_space<vmem>>, %arg7: memref<19248xi32, #tpu.memory_space<vmem>>, %arg8: memref<19248xf32, #tpu.memory_space<vmem>>, %arg9: memref<30720xf32, #tpu.memory_space<vmem>>, %arg10: memref<317440xi32, #tpu.memory_space<vmem_shared>>, %arg11: memref<317440xf32, #tpu.memory_space<vmem_shared>>, %arg12: memref<1xi32, #tpu.memory_space<smem>>) attributes {dimension_semantics = [#tpu.dimension_semantics<core_parallel>, #tpu.dimension_semantics<subcore_parallel>], iteration_bounds = array<i64: 2, 16>, scalar_prefetch = 0 : i64, scratch_operands = 8 : i64, tpu.core_type = #tpu.core_type<sc_vector_subcore>, window_params = [{transform_indices = #map}, {transform_indices = #map}, {transform_indices = #map}]} {
    %eq3A = arith.constant 0 : i32
    %eq3A_0 = arith.cmpi eq, %arg1, %eq3A : i32
    %convert_element_type3A = arith.extui %eq3A_0 : i1 to i32
    %cond3A = arith.constant 0 : i32
    %cond3A_1 = arith.cmpi ne, %convert_element_type3A, %cond3A : i32
    scf.if %cond3A_1 {
      %swap3A_117 = arith.constant 0 : i32
      %swap3A_118 = arith.constant 0 : i32
      %swap3A_119 = arith.index_cast %swap3A_118 : i32 to index
      %swap3A_120 = memref.load %arg12[%swap3A_119] : memref<1xi32, #tpu.memory_space<smem>>
      memref.store %swap3A_117, %arg12[%swap3A_119] : memref<1xi32, #tpu.memory_space<smem>>
    } else {
    }
    %barrier3A = arith.constant 0 : index
    tpu.barrier barrier_id(%barrier3A)
    %mul3A = arith.constant 19200 : i32
    %mul3A_2 = arith.muli %arg1, %mul3A : i32
    %scan3A = arith.constant 0 : i32
    %scan3A_3 = arith.constant 0 : i32
    %scan3A_4 = arith.constant 5 : i32
    %scan3A_5 = arith.addi %scan3A_3, %scan3A_4 : i32
    %scan3A_6 = arith.constant 1 : i32
    %scan3A_7 = scf.for %scan3A_117 = %scan3A_3 to %scan3A_5 step %scan3A_6 iter_args(%scan3A_118 = %scan3A) -> (i32)  : i32 {
      %mul3A_119 = arith.constant 3840 : i32
      %mul3A_120 = arith.muli %scan3A_117, %mul3A_119 : i32
      %add3A_121 = arith.addi %mul3A_2, %mul3A_120 : i32
      "tpu.region"() ({
        %run_scoped3A = tpu.sem_alloc : memref<!tpu.dma_semaphore, #tpu.memory_space<semaphore_mem>>
        %dma_start3A = arith.constant 0 : i32
        %dma_start3A_128 = tpu.memref_slice %arg5[%dma_start3A] : memref<3840xi32, #tpu.memory_space<vmem>> -> memref<3840xi32, #tpu.memory_space<vmem>>
        %dma_start3A_129 = tpu.memref_slice %arg2[%add3A_121] : memref<307200xi32, #tpu.memory_space<hbm>> -> memref<3840xi32, #tpu.memory_space<hbm>>
        %dma_start3A_130 = arith.constant 0 : i32
        %dma_start3A_131 = tpu.memref_slice %arg5[%dma_start3A_130] : memref<3840xi32, #tpu.memory_space<vmem>> -> memref<3840xi32, #tpu.memory_space<vmem>>
        %dma_start3A_132 = tpu.memref_slice %arg2[%add3A_121] : memref<307200xi32, #tpu.memory_space<hbm>> -> memref<3840xi32, #tpu.memory_space<hbm>>
        tpu.enqueue_dma source(%dma_start3A_132 : memref<3840xi32, #tpu.memory_space<hbm>>) target(%dma_start3A_131 : memref<3840xi32, #tpu.memory_space<vmem>>) target_semaphore(%run_scoped3A : memref<!tpu.dma_semaphore, #tpu.memory_space<semaphore_mem>>)
        %dma_wait3A = arith.constant 0 : i32
        %dma_wait3A_133 = tpu.memref_slice %arg5[%dma_wait3A] : memref<3840xi32, #tpu.memory_space<vmem>> -> memref<3840xi32, #tpu.memory_space<vmem>>
        %dma_wait3A_134 = tpu.memref_slice %arg2[%add3A_121] : memref<307200xi32, #tpu.memory_space<hbm>> -> memref<3840xi32, #tpu.memory_space<hbm>>
        %dma_wait3A_135 = arith.constant 0 : i32
        %dma_wait3A_136 = tpu.memref_slice %arg5[%dma_wait3A_135] : memref<3840xi32, #tpu.memory_space<vmem>> -> memref<3840xi32, #tpu.memory_space<vmem>>
        %dma_wait3A_137 = tpu.memref_slice %arg2[%add3A_121] : memref<307200xi32, #tpu.memory_space<hbm>> -> memref<3840xi32, #tpu.memory_space<hbm>>
        tpu.wait_dma2 semaphore(%run_scoped3A : memref<!tpu.dma_semaphore, #tpu.memory_space<semaphore_mem>>) src(%dma_wait3A_137 : memref<3840xi32, #tpu.memory_space<hbm>>) dst(%dma_wait3A_136 : memref<3840xi32, #tpu.memory_space<vmem>>)
        tpu.yield
      }) : () -> ()
      %mul3A_122 = arith.constant 3840 : i32
      %mul3A_123 = arith.muli %scan3A_117, %mul3A_122 : i32
      %add3A_124 = arith.addi %mul3A_2, %mul3A_123 : i32
      "tpu.region"() ({
        %run_scoped3A = tpu.sem_alloc : memref<!tpu.dma_semaphore, #tpu.memory_space<semaphore_mem>>
        %dma_start3A = arith.constant 0 : i32
        %dma_start3A_128 = tpu.memref_slice %arg6[%dma_start3A] : memref<3840xf32, #tpu.memory_space<vmem>> -> memref<3840xf32, #tpu.memory_space<vmem>>
        %dma_start3A_129 = tpu.memref_slice %arg3[%add3A_124] : memref<307200xf32, #tpu.memory_space<hbm>> -> memref<3840xf32, #tpu.memory_space<hbm>>
        %dma_start3A_130 = arith.constant 0 : i32
        %dma_start3A_131 = tpu.memref_slice %arg6[%dma_start3A_130] : memref<3840xf32, #tpu.memory_space<vmem>> -> memref<3840xf32, #tpu.memory_space<vmem>>
        %dma_start3A_132 = tpu.memref_slice %arg3[%add3A_124] : memref<307200xf32, #tpu.memory_space<hbm>> -> memref<3840xf32, #tpu.memory_space<hbm>>
        tpu.enqueue_dma source(%dma_start3A_132 : memref<3840xf32, #tpu.memory_space<hbm>>) target(%dma_start3A_131 : memref<3840xf32, #tpu.memory_space<vmem>>) target_semaphore(%run_scoped3A : memref<!tpu.dma_semaphore, #tpu.memory_space<semaphore_mem>>)
        %dma_wait3A = arith.constant 0 : i32
        %dma_wait3A_133 = tpu.memref_slice %arg6[%dma_wait3A] : memref<3840xf32, #tpu.memory_space<vmem>> -> memref<3840xf32, #tpu.memory_space<vmem>>
        %dma_wait3A_134 = tpu.memref_slice %arg3[%add3A_124] : memref<307200xf32, #tpu.memory_space<hbm>> -> memref<3840xf32, #tpu.memory_space<hbm>>
        %dma_wait3A_135 = arith.constant 0 : i32
        %dma_wait3A_136 = tpu.memref_slice %arg6[%dma_wait3A_135] : memref<3840xf32, #tpu.memory_space<vmem>> -> memref<3840xf32, #tpu.memory_space<vmem>>
        %dma_wait3A_137 = tpu.memref_slice %arg3[%add3A_124] : memref<307200xf32, #tpu.memory_space<hbm>> -> memref<3840xf32, #tpu.memory_space<hbm>>
        tpu.wait_dma2 semaphore(%run_scoped3A : memref<!tpu.dma_semaphore, #tpu.memory_space<semaphore_mem>>) src(%dma_wait3A_137 : memref<3840xf32, #tpu.memory_space<hbm>>) dst(%dma_wait3A_136 : memref<3840xf32, #tpu.memory_space<vmem>>)
        tpu.yield
      }) : () -> ()
      %parallel_loop3A = arith.constant 0 : i32
      %parallel_loop3A_125 = arith.constant 240 : i32
      %parallel_loop3A_126 = arith.constant 1 : i32
      %parallel_loop3A_127 = scf.for %parallel_loop3A_128 = %parallel_loop3A to %parallel_loop3A_125 step %parallel_loop3A_126 iter_args(%parallel_loop3A_129 = %scan3A_118) -> (i32)  : i32 {
        %parallel_loop3A_130 = arith.constant 16 : i32
        %parallel_loop3A_131 = arith.muli %parallel_loop3A_128, %parallel_loop3A_130 : i32
        %parallel_loop3A_132 = arith.index_cast %parallel_loop3A_131 : i32 to index
        %parallel_loop3A_133 = tpu.vector_load %arg5[%parallel_loop3A_132] {strides = array<i32>} : memref<3840xi32, #tpu.memory_space<vmem>>, vector<16xi32>,
        %parallel_loop3A_134 = arith.constant 16 : i32
        %parallel_loop3A_135 = arith.muli %parallel_loop3A_128, %parallel_loop3A_134 : i32
        %parallel_loop3A_136 = arith.index_cast %parallel_loop3A_135 : i32 to index
        %parallel_loop3A_137 = tpu.vector_load %arg6[%parallel_loop3A_136] {strides = array<i32>} : memref<3840xf32, #tpu.memory_space<vmem>>, vector<16xf32>,
        %parallel_loop3A_138 = arith.constant 0x7F800000 : f32
        %parallel_loop3A_139 = vector.broadcast %parallel_loop3A_138 : f32 to vector<16xf32>
        %parallel_loop3A_140 = arith.cmpf olt, %parallel_loop3A_137, %parallel_loop3A_139 : vector<16xf32>
        %parallel_loop3A_141 = arith.index_cast %parallel_loop3A_129 : i32 to index
        %parallel_loop3A_142 = tpu.vector_load %arg7[%parallel_loop3A_141] masked %parallel_loop3A_140 {strides = array<i32>} : memref<19248xi32, #tpu.memory_space<vmem>>, vector<16xi32>, vector<16xi1>
        tpu.vector_store %arg7[%parallel_loop3A_141], %parallel_loop3A_133 masked %parallel_loop3A_140 {strides = array<i32>} : memref<19248xi32, #tpu.memory_space<vmem>>, vector<16xi32>, vector<16xi1>
        %parallel_loop3A_143 = arith.index_cast %parallel_loop3A_129 : i32 to index
        %parallel_loop3A_144 = tpu.vector_load %arg8[%parallel_loop3A_143] masked %parallel_loop3A_140 {strides = array<i32>} : memref<19248xf32, #tpu.memory_space<vmem>>, vector<16xf32>, vector<16xi1>
        tpu.vector_store %arg8[%parallel_loop3A_143], %parallel_loop3A_137 masked %parallel_loop3A_140 {strides = array<i32>} : memref<19248xf32, #tpu.memory_space<vmem>>, vector<16xf32>, vector<16xi1>
        %parallel_loop3A_145 = tpu.all_reduce %parallel_loop3A_140 {dim = 0 : i64, kind = #tpu.reduction_kind<sum>} : vector<16xi1> -> vector<16xi32>
        %parallel_loop3A_146 = vector.extract_strided_slice %parallel_loop3A_145 {offsets = [0], sizes = [1], strides = [1]} : vector<16xi32> to vector<1xi32>
        %parallel_loop3A_147 = vector.extract %parallel_loop3A_146[0] : i32 from vector<1xi32>
        %parallel_loop3A_148 = arith.addi %parallel_loop3A_129, %parallel_loop3A_147 : i32
        scf.yield %parallel_loop3A_148 : i32
      } {sc.loop_unroll_factor = 8 : i64, sc.parallel_access}
      scf.yield %parallel_loop3A_127 : i32
    }
    %scan3A_8 = arith.constant 5 : i32
    %add3A = arith.constant 16 : i32
    %add3A_9 = arith.addi %scan3A_7, %add3A : i32
    %sub3A = arith.constant 1 : i32
    %sub3A_10 = arith.subi %add3A_9, %sub3A : i32
    %jit3A = arith.constant 16 : i32
    %div3A = arith.divsi %sub3A_10, %jit3A : i32
    %sign3A = arith.constant 0 : i32
    %sign3A_11 = arith.cmpi sgt, %sub3A_10, %sign3A : i32
    %sign3A_12 = arith.extui %sign3A_11 : i1 to i32
    %sign3A_13 = arith.constant 0 : i32
    %sign3A_14 = arith.cmpi slt, %sub3A_10, %sign3A_13 : i32
    %sign3A_15 = arith.extui %sign3A_14 : i1 to i32
    %sign3A_16 = arith.subi %sign3A_12, %sign3A_15 : i32
    %sign3A_17 = arith.constant 0 : i32
    %sign3A_18 = arith.cmpi sgt, %jit3A, %sign3A_17 : i32
    %sign3A_19 = arith.extui %sign3A_18 : i1 to i32
    %sign3A_20 = arith.constant 0 : i32
    %sign3A_21 = arith.cmpi slt, %jit3A, %sign3A_20 : i32
    %sign3A_22 = arith.extui %sign3A_21 : i1 to i32
    %sign3A_23 = arith.subi %sign3A_19, %sign3A_22 : i32
    %ne3A = arith.cmpi ne, %sign3A_16, %sign3A_23 : i32
    %rem3A = arith.remsi %sub3A_10, %jit3A : i32
    %ne3A_24 = arith.constant 0 : i32
    %ne3A_25 = arith.cmpi ne, %rem3A, %ne3A_24 : i32
    %and3A = arith.andi %ne3A, %ne3A_25 : i1
    %sub3A_26 = arith.constant 1 : i32
    %sub3A_27 = arith.subi %div3A, %sub3A_26 : i32
    %select_n3A = arith.select %and3A, %sub3A_27, %div3A : i32
    %mul3A_28 = arith.constant 16 : i32
    %mul3A_29 = arith.muli %select_n3A, %mul3A_28 : i32
    %broadcast_in_dim3A = arith.constant 0 : i32
    %broadcast_in_dim3A_30 = vector.broadcast %broadcast_in_dim3A : i32 to vector<16xi32>
    %swap3A = arith.index_cast %scan3A_7 : i32 to index
    %swap3A_31 = tpu.vector_load %arg7[%swap3A] {strides = array<i32>} : memref<19248xi32, #tpu.memory_space<vmem>>, vector<16xi32>,
    tpu.vector_store %arg7[%swap3A], %broadcast_in_dim3A_30 {strides = array<i32>} : memref<19248xi32, #tpu.memory_space<vmem>>, vector<16xi32>,
    %broadcast_in_dim3A_32 = arith.constant 0x7F800000 : f32
    %broadcast_in_dim3A_33 = vector.broadcast %broadcast_in_dim3A_32 : f32 to vector<16xf32>
    %swap3A_34 = arith.index_cast %scan3A_7 : i32 to index
    %swap3A_35 = tpu.vector_load %arg8[%swap3A_34] {strides = array<i32>} : memref<19248xf32, #tpu.memory_space<vmem>>, vector<16xf32>,
    tpu.vector_store %arg8[%swap3A_34], %broadcast_in_dim3A_33 {strides = array<i32>} : memref<19248xf32, #tpu.memory_space<vmem>>, vector<16xf32>,
    %sc_fetch_and_add3A = arith.constant 0 : i32
    %sc_fetch_and_add3A_36 = arith.constant 0 : i32
    %sc_fetch_and_add3A_37 = tpu.fetch_and_add_sync %arg12[%sc_fetch_and_add3A], %mul3A_29, %sc_fetch_and_add3A_36 : memref<1xi32, #tpu.memory_space<smem>>, i32 -> i32
    %multiple_of3A = tpu.assume_multiple %sc_fetch_and_add3A_37, 16 : i32
    %jit3A_38 = arith.constant 512 : i32
    %div3A_39 = arith.divsi %mul3A_29, %jit3A_38 : i32
    %sign3A_40 = arith.constant 0 : i32
    %sign3A_41 = arith.cmpi sgt, %mul3A_29, %sign3A_40 : i32
    %sign3A_42 = arith.extui %sign3A_41 : i1 to i32
    %sign3A_43 = arith.constant 0 : i32
    %sign3A_44 = arith.cmpi slt, %mul3A_29, %sign3A_43 : i32
    %sign3A_45 = arith.extui %sign3A_44 : i1 to i32
    %sign3A_46 = arith.subi %sign3A_42, %sign3A_45 : i32
    %sign3A_47 = arith.constant 0 : i32
    %sign3A_48 = arith.cmpi sgt, %jit3A_38, %sign3A_47 : i32
    %sign3A_49 = arith.extui %sign3A_48 : i1 to i32
    %sign3A_50 = arith.constant 0 : i32
    %sign3A_51 = arith.cmpi slt, %jit3A_38, %sign3A_50 : i32
    %sign3A_52 = arith.extui %sign3A_51 : i1 to i32
    %sign3A_53 = arith.subi %sign3A_49, %sign3A_52 : i32
    %ne3A_54 = arith.cmpi ne, %sign3A_46, %sign3A_53 : i32
    %rem3A_55 = arith.remsi %mul3A_29, %jit3A_38 : i32
    %ne3A_56 = arith.constant 0 : i32
    %ne3A_57 = arith.cmpi ne, %rem3A_55, %ne3A_56 : i32
    %and3A_58 = arith.andi %ne3A_54, %ne3A_57 : i1
    %sub3A_59 = arith.constant 1 : i32
    %sub3A_60 = arith.subi %div3A_39, %sub3A_59 : i32
    %select_n3A_61 = arith.select %and3A_58, %sub3A_60, %div3A_39 : i32
    %while3A = arith.constant 0 : i32
    %while3A_62 = arith.constant 0 : i32
    %while3A_63 = arith.subi %select_n3A_61, %while3A_62 : i32
    %while3A_64 = arith.addi %while3A_62, %while3A_63 : i32
    %while3A_65 = arith.constant 1 : i32
    %while3A_66 = arith.divsi %while3A_63, %while3A_65 : i32
    %while3A_67 = arith.muli %while3A_66, %while3A_65 : i32
    %while3A_68 = arith.addi %while3A_62, %while3A_67 : i32
    %while3A_69 = arith.constant 1 : i32
    scf.for %while3A_117 = %while3A_62 to %while3A_68 step %while3A_69  : i32 {
      %mul3A_118 = arith.constant 512 : i32
      %mul3A_119 = arith.muli %while3A_117, %mul3A_118 : i32
      %mul3A_120 = arith.constant 512 : i32
      %mul3A_121 = arith.muli %while3A_117, %mul3A_120 : i32
      %add3A_122 = arith.addi %multiple_of3A, %mul3A_121 : i32
      "tpu.region"() ({
        %run_scoped3A = tpu.sem_alloc : memref<!tpu.dma_semaphore, #tpu.memory_space<semaphore_mem>>
        %dma_start3A = tpu.memref_slice %arg7[%mul3A_119] : memref<19248xi32, #tpu.memory_space<vmem>> -> memref<512xi32, #tpu.memory_space<vmem>>
        %dma_start3A_128 = tpu.memref_slice %arg10[%add3A_122] : memref<317440xi32, #tpu.memory_space<vmem_shared>> -> memref<512xi32, #tpu.memory_space<vmem_shared>>
        %dma_start3A_129 = tpu.memref_slice %arg10[%add3A_122] : memref<317440xi32, #tpu.memory_space<vmem_shared>> -> memref<512xi32, #tpu.memory_space<vmem_shared>>
        %dma_start3A_130 = tpu.memref_slice %arg7[%mul3A_119] : memref<19248xi32, #tpu.memory_space<vmem>> -> memref<512xi32, #tpu.memory_space<vmem>>
        tpu.enqueue_dma source(%dma_start3A_130 : memref<512xi32, #tpu.memory_space<vmem>>) target(%dma_start3A_129 : memref<512xi32, #tpu.memory_space<vmem_shared>>) target_semaphore(%run_scoped3A : memref<!tpu.dma_semaphore, #tpu.memory_space<semaphore_mem>>)
        %dma_wait3A = tpu.memref_slice %arg7[%mul3A_119] : memref<19248xi32, #tpu.memory_space<vmem>> -> memref<512xi32, #tpu.memory_space<vmem>>
        %dma_wait3A_131 = tpu.memref_slice %arg10[%add3A_122] : memref<317440xi32, #tpu.memory_space<vmem_shared>> -> memref<512xi32, #tpu.memory_space<vmem_shared>>
        %dma_wait3A_132 = tpu.memref_slice %arg10[%add3A_122] : memref<317440xi32, #tpu.memory_space<vmem_shared>> -> memref<512xi32, #tpu.memory_space<vmem_shared>>
        %dma_wait3A_133 = tpu.memref_slice %arg7[%mul3A_119] : memref<19248xi32, #tpu.memory_space<vmem>> -> memref<512xi32, #tpu.memory_space<vmem>>
        tpu.wait_dma2 semaphore(%run_scoped3A : memref<!tpu.dma_semaphore, #tpu.memory_space<semaphore_mem>>) src(%dma_wait3A_133 : memref<512xi32, #tpu.memory_space<vmem>>) dst(%dma_wait3A_132 : memref<512xi32, #tpu.memory_space<vmem_shared>>)
        tpu.yield
      }) : () -> ()
      %mul3A_123 = arith.constant 512 : i32
      %mul3A_124 = arith.muli %while3A_117, %mul3A_123 : i32
      %mul3A_125 = arith.constant 512 : i32
      %mul3A_126 = arith.muli %while3A_117, %mul3A_125 : i32
      %add3A_127 = arith.addi %multiple_of3A, %mul3A_126 : i32
      "tpu.region"() ({
        %run_scoped3A = tpu.sem_alloc : memref<!tpu.dma_semaphore, #tpu.memory_space<semaphore_mem>>
        %dma_start3A = tpu.memref_slice %arg8[%mul3A_124] : memref<19248xf32, #tpu.memory_space<vmem>> -> memref<512xf32, #tpu.memory_space<vmem>>
        %dma_start3A_128 = tpu.memref_slice %arg11[%add3A_127] : memref<317440xf32, #tpu.memory_space<vmem_shared>> -> memref<512xf32, #tpu.memory_space<vmem_shared>>
        %dma_start3A_129 = tpu.memref_slice %arg11[%add3A_127] : memref<317440xf32, #tpu.memory_space<vmem_shared>> -> memref<512xf32, #tpu.memory_space<vmem_shared>>
        %dma_start3A_130 = tpu.memref_slice %arg8[%mul3A_124] : memref<19248xf32, #tpu.memory_space<vmem>> -> memref<512xf32, #tpu.memory_space<vmem>>
        tpu.enqueue_dma source(%dma_start3A_130 : memref<512xf32, #tpu.memory_space<vmem>>) target(%dma_start3A_129 : memref<512xf32, #tpu.memory_space<vmem_shared>>) target_semaphore(%run_scoped3A : memref<!tpu.dma_semaphore, #tpu.memory_space<semaphore_mem>>)
        %dma_wait3A = tpu.memref_slice %arg8[%mul3A_124] : memref<19248xf32, #tpu.memory_space<vmem>> -> memref<512xf32, #tpu.memory_space<vmem>>
        %dma_wait3A_131 = tpu.memref_slice %arg11[%add3A_127] : memref<317440xf32, #tpu.memory_space<vmem_shared>> -> memref<512xf32, #tpu.memory_space<vmem_shared>>
        %dma_wait3A_132 = tpu.memref_slice %arg11[%add3A_127] : memref<317440xf32, #tpu.memory_space<vmem_shared>> -> memref<512xf32, #tpu.memory_space<vmem_shared>>
        %dma_wait3A_133 = tpu.memref_slice %arg8[%mul3A_124] : memref<19248xf32, #tpu.memory_space<vmem>> -> memref<512xf32, #tpu.memory_space<vmem>>
        tpu.wait_dma2 semaphore(%run_scoped3A : memref<!tpu.dma_semaphore, #tpu.memory_space<semaphore_mem>>) src(%dma_wait3A_133 : memref<512xf32, #tpu.memory_space<vmem>>) dst(%dma_wait3A_132 : memref<512xf32, #tpu.memory_space<vmem_shared>>)
        tpu.yield
      }) : () -> ()
    }
    %while3A_70 = arith.constant 1 : i32
    scf.for %while3A_117 = %while3A_68 to %while3A_64 step %while3A_70  : i32 {
      %mul3A_118 = arith.constant 512 : i32
      %mul3A_119 = arith.muli %while3A_117, %mul3A_118 : i32
      %mul3A_120 = arith.constant 512 : i32
      %mul3A_121 = arith.muli %while3A_117, %mul3A_120 : i32
      %add3A_122 = arith.addi %multiple_of3A, %mul3A_121 : i32
      "tpu.region"() ({
        %run_scoped3A = tpu.sem_alloc : memref<!tpu.dma_semaphore, #tpu.memory_space<semaphore_mem>>
        %dma_start3A = tpu.memref_slice %arg7[%mul3A_119] : memref<19248xi32, #tpu.memory_space<vmem>> -> memref<512xi32, #tpu.memory_space<vmem>>
        %dma_start3A_128 = tpu.memref_slice %arg10[%add3A_122] : memref<317440xi32, #tpu.memory_space<vmem_shared>> -> memref<512xi32, #tpu.memory_space<vmem_shared>>
        %dma_start3A_129 = tpu.memref_slice %arg10[%add3A_122] : memref<317440xi32, #tpu.memory_space<vmem_shared>> -> memref<512xi32, #tpu.memory_space<vmem_shared>>
        %dma_start3A_130 = tpu.memref_slice %arg7[%mul3A_119] : memref<19248xi32, #tpu.memory_space<vmem>> -> memref<512xi32, #tpu.memory_space<vmem>>
        tpu.enqueue_dma source(%dma_start3A_130 : memref<512xi32, #tpu.memory_space<vmem>>) target(%dma_start3A_129 : memref<512xi32, #tpu.memory_space<vmem_shared>>) target_semaphore(%run_scoped3A : memref<!tpu.dma_semaphore, #tpu.memory_space<semaphore_mem>>)
        %dma_wait3A = tpu.memref_slice %arg7[%mul3A_119] : memref<19248xi32, #tpu.memory_space<vmem>> -> memref<512xi32, #tpu.memory_space<vmem>>
        %dma_wait3A_131 = tpu.memref_slice %arg10[%add3A_122] : memref<317440xi32, #tpu.memory_space<vmem_shared>> -> memref<512xi32, #tpu.memory_space<vmem_shared>>
        %dma_wait3A_132 = tpu.memref_slice %arg10[%add3A_122] : memref<317440xi32, #tpu.memory_space<vmem_shared>> -> memref<512xi32, #tpu.memory_space<vmem_shared>>
        %dma_wait3A_133 = tpu.memref_slice %arg7[%mul3A_119] : memref<19248xi32, #tpu.memory_space<vmem>> -> memref<512xi32, #tpu.memory_space<vmem>>
        tpu.wait_dma2 semaphore(%run_scoped3A : memref<!tpu.dma_semaphore, #tpu.memory_space<semaphore_mem>>) src(%dma_wait3A_133 : memref<512xi32, #tpu.memory_space<vmem>>) dst(%dma_wait3A_132 : memref<512xi32, #tpu.memory_space<vmem_shared>>)
        tpu.yield
      }) : () -> ()
      %mul3A_123 = arith.constant 512 : i32
      %mul3A_124 = arith.muli %while3A_117, %mul3A_123 : i32
      %mul3A_125 = arith.constant 512 : i32
      %mul3A_126 = arith.muli %while3A_117, %mul3A_125 : i32
      %add3A_127 = arith.addi %multiple_of3A, %mul3A_126 : i32
      "tpu.region"() ({
        %run_scoped3A = tpu.sem_alloc : memref<!tpu.dma_semaphore, #tpu.memory_space<semaphore_mem>>
        %dma_start3A = tpu.memref_slice %arg8[%mul3A_124] : memref<19248xf32, #tpu.memory_space<vmem>> -> memref<512xf32, #tpu.memory_space<vmem>>
        %dma_start3A_128 = tpu.memref_slice %arg11[%add3A_127] : memref<317440xf32, #tpu.memory_space<vmem_shared>> -> memref<512xf32, #tpu.memory_space<vmem_shared>>
        %dma_start3A_129 = tpu.memref_slice %arg11[%add3A_127] : memref<317440xf32, #tpu.memory_space<vmem_shared>> -> memref<512xf32, #tpu.memory_space<vmem_shared>>
        %dma_start3A_130 = tpu.memref_slice %arg8[%mul3A_124] : memref<19248xf32, #tpu.memory_space<vmem>> -> memref<512xf32, #tpu.memory_space<vmem>>
        tpu.enqueue_dma source(%dma_start3A_130 : memref<512xf32, #tpu.memory_space<vmem>>) target(%dma_start3A_129 : memref<512xf32, #tpu.memory_space<vmem_shared>>) target_semaphore(%run_scoped3A : memref<!tpu.dma_semaphore, #tpu.memory_space<semaphore_mem>>)
        %dma_wait3A = tpu.memref_slice %arg8[%mul3A_124] : memref<19248xf32, #tpu.memory_space<vmem>> -> memref<512xf32, #tpu.memory_space<vmem>>
        %dma_wait3A_131 = tpu.memref_slice %arg11[%add3A_127] : memref<317440xf32, #tpu.memory_space<vmem_shared>> -> memref<512xf32, #tpu.memory_space<vmem_shared>>
        %dma_wait3A_132 = tpu.memref_slice %arg11[%add3A_127] : memref<317440xf32, #tpu.memory_space<vmem_shared>> -> memref<512xf32, #tpu.memory_space<vmem_shared>>
        %dma_wait3A_133 = tpu.memref_slice %arg8[%mul3A_124] : memref<19248xf32, #tpu.memory_space<vmem>> -> memref<512xf32, #tpu.memory_space<vmem>>
        tpu.wait_dma2 semaphore(%run_scoped3A : memref<!tpu.dma_semaphore, #tpu.memory_space<semaphore_mem>>) src(%dma_wait3A_133 : memref<512xf32, #tpu.memory_space<vmem>>) dst(%dma_wait3A_132 : memref<512xf32, #tpu.memory_space<vmem_shared>>)
        tpu.yield
      }) : () -> ()
    }
    %mul3A_71 = arith.constant 512 : i32
    %mul3A_72 = arith.muli %select_n3A_61, %mul3A_71 : i32
    %sub3A_73 = arith.subi %mul3A_29, %mul3A_72 : i32
    %jit3A_74 = arith.constant 16 : i32
    %div3A_75 = arith.divsi %sub3A_73, %jit3A_74 : i32
    %sign3A_76 = arith.constant 0 : i32
    %sign3A_77 = arith.cmpi sgt, %sub3A_73, %sign3A_76 : i32
    %sign3A_78 = arith.extui %sign3A_77 : i1 to i32
    %sign3A_79 = arith.constant 0 : i32
    %sign3A_80 = arith.cmpi slt, %sub3A_73, %sign3A_79 : i32
    %sign3A_81 = arith.extui %sign3A_80 : i1 to i32
    %sign3A_82 = arith.subi %sign3A_78, %sign3A_81 : i32
    %sign3A_83 = arith.constant 0 : i32
    %sign3A_84 = arith.cmpi sgt, %jit3A_74, %sign3A_83 : i32
    %sign3A_85 = arith.extui %sign3A_84 : i1 to i32
    %sign3A_86 = arith.constant 0 : i32
    %sign3A_87 = arith.cmpi slt, %jit3A_74, %sign3A_86 : i32
    %sign3A_88 = arith.extui %sign3A_87 : i1 to i32
    %sign3A_89 = arith.subi %sign3A_85, %sign3A_88 : i32
    %ne3A_90 = arith.cmpi ne, %sign3A_82, %sign3A_89 : i32
    %rem3A_91 = arith.remsi %sub3A_73, %jit3A_74 : i32
    %ne3A_92 = arith.constant 0 : i32
    %ne3A_93 = arith.cmpi ne, %rem3A_91, %ne3A_92 : i32
    %and3A_94 = arith.andi %ne3A_90, %ne3A_93 : i1
    %sub3A_95 = arith.constant 1 : i32
    %sub3A_96 = arith.subi %div3A_75, %sub3A_95 : i32
    %select_n3A_97 = arith.select %and3A_94, %sub3A_96, %div3A_75 : i32
    %while3A_98 = arith.constant 0 : i32
    %while3A_99 = arith.constant 0 : i32
    %while3A_100 = arith.subi %select_n3A_97, %while3A_99 : i32
    %while3A_101 = arith.addi %while3A_99, %while3A_100 : i32
    %while3A_102 = arith.constant 1 : i32
    %while3A_103 = arith.divsi %while3A_100, %while3A_102 : i32
    %while3A_104 = arith.muli %while3A_103, %while3A_102 : i32
    %while3A_105 = arith.addi %while3A_99, %while3A_104 : i32
    %while3A_106 = arith.constant 1 : i32
    scf.for %while3A_117 = %while3A_99 to %while3A_105 step %while3A_106  : i32 {
      %mul3A_118 = arith.constant 512 : i32
      %mul3A_119 = arith.muli %select_n3A_61, %mul3A_118 : i32
      %mul3A_120 = arith.constant 16 : i32
      %mul3A_121 = arith.muli %while3A_117, %mul3A_120 : i32
      %add3A_122 = arith.addi %mul3A_119, %mul3A_121 : i32
      %add3A_123 = arith.addi %multiple_of3A, %add3A_122 : i32
      "tpu.region"() ({
        %run_scoped3A = tpu.sem_alloc : memref<!tpu.dma_semaphore, #tpu.memory_space<semaphore_mem>>
        %dma_start3A = tpu.memref_slice %arg7[%add3A_122] : memref<19248xi32, #tpu.memory_space<vmem>> -> memref<16xi32, #tpu.memory_space<vmem>>
        %dma_start3A_125 = tpu.memref_slice %arg10[%add3A_123] : memref<317440xi32, #tpu.memory_space<vmem_shared>> -> memref<16xi32, #tpu.memory_space<vmem_shared>>
        %dma_start3A_126 = tpu.memref_slice %arg10[%add3A_123] : memref<317440xi32, #tpu.memory_space<vmem_shared>> -> memref<16xi32, #tpu.memory_space<vmem_shared>>
        %dma_start3A_127 = tpu.memref_slice %arg7[%add3A_122] : memref<19248xi32, #tpu.memory_space<vmem>> -> memref<16xi32, #tpu.memory_space<vmem>>
        tpu.enqueue_dma source(%dma_start3A_127 : memref<16xi32, #tpu.memory_space<vmem>>) target(%dma_start3A_126 : memref<16xi32, #tpu.memory_space<vmem_shared>>) target_semaphore(%run_scoped3A : memref<!tpu.dma_semaphore, #tpu.memory_space<semaphore_mem>>)
        %dma_wait3A = tpu.memref_slice %arg7[%add3A_122] : memref<19248xi32, #tpu.memory_space<vmem>> -> memref<16xi32, #tpu.memory_space<vmem>>
        %dma_wait3A_128 = tpu.memref_slice %arg10[%add3A_123] : memref<317440xi32, #tpu.memory_space<vmem_shared>> -> memref<16xi32, #tpu.memory_space<vmem_shared>>
        %dma_wait3A_129 = tpu.memref_slice %arg10[%add3A_123] : memref<317440xi32, #tpu.memory_space<vmem_shared>> -> memref<16xi32, #tpu.memory_space<vmem_shared>>
        %dma_wait3A_130 = tpu.memref_slice %arg7[%add3A_122] : memref<19248xi32, #tpu.memory_space<vmem>> -> memref<16xi32, #tpu.memory_space<vmem>>
        tpu.wait_dma2 semaphore(%run_scoped3A : memref<!tpu.dma_semaphore, #tpu.memory_space<semaphore_mem>>) src(%dma_wait3A_130 : memref<16xi32, #tpu.memory_space<vmem>>) dst(%dma_wait3A_129 : memref<16xi32, #tpu.memory_space<vmem_shared>>)
        tpu.yield
      }) : () -> ()
      %add3A_124 = arith.addi %multiple_of3A, %add3A_122 : i32
      "tpu.region"() ({
        %run_scoped3A = tpu.sem_alloc : memref<!tpu.dma_semaphore, #tpu.memory_space<semaphore_mem>>
        %dma_start3A = tpu.memref_slice %arg8[%add3A_122] : memref<19248xf32, #tpu.memory_space<vmem>> -> memref<16xf32, #tpu.memory_space<vmem>>
        %dma_start3A_125 = tpu.memref_slice %arg11[%add3A_124] : memref<317440xf32, #tpu.memory_space<vmem_shared>> -> memref<16xf32, #tpu.memory_space<vmem_shared>>
        %dma_start3A_126 = tpu.memref_slice %arg11[%add3A_124] : memref<317440xf32, #tpu.memory_space<vmem_shared>> -> memref<16xf32, #tpu.memory_space<vmem_shared>>
        %dma_start3A_127 = tpu.memref_slice %arg8[%add3A_122] : memref<19248xf32, #tpu.memory_space<vmem>> -> memref<16xf32, #tpu.memory_space<vmem>>
        tpu.enqueue_dma source(%dma_start3A_127 : memref<16xf32, #tpu.memory_space<vmem>>) target(%dma_start3A_126 : memref<16xf32, #tpu.memory_space<vmem_shared>>) target_semaphore(%run_scoped3A : memref<!tpu.dma_semaphore, #tpu.memory_space<semaphore_mem>>)
        %dma_wait3A = tpu.memref_slice %arg8[%add3A_122] : memref<19248xf32, #tpu.memory_space<vmem>> -> memref<16xf32, #tpu.memory_space<vmem>>
        %dma_wait3A_128 = tpu.memref_slice %arg11[%add3A_124] : memref<317440xf32, #tpu.memory_space<vmem_shared>> -> memref<16xf32, #tpu.memory_space<vmem_shared>>
        %dma_wait3A_129 = tpu.memref_slice %arg11[%add3A_124] : memref<317440xf32, #tpu.memory_space<vmem_shared>> -> memref<16xf32, #tpu.memory_space<vmem_shared>>
        %dma_wait3A_130 = tpu.memref_slice %arg8[%add3A_122] : memref<19248xf32, #tpu.memory_space<vmem>> -> memref<16xf32, #tpu.memory_space<vmem>>
        tpu.wait_dma2 semaphore(%run_scoped3A : memref<!tpu.dma_semaphore, #tpu.memory_space<semaphore_mem>>) src(%dma_wait3A_130 : memref<16xf32, #tpu.memory_space<vmem>>) dst(%dma_wait3A_129 : memref<16xf32, #tpu.memory_space<vmem_shared>>)
        tpu.yield
      }) : () -> ()
    }
    %while3A_107 = arith.constant 1 : i32
    scf.for %while3A_117 = %while3A_105 to %while3A_101 step %while3A_107  : i32 {
      %mul3A_118 = arith.constant 512 : i32
      %mul3A_119 = arith.muli %select_n3A_61, %mul3A_118 : i32
      %mul3A_120 = arith.constant 16 : i32
      %mul3A_121 = arith.muli %while3A_117, %mul3A_120 : i32
      %add3A_122 = arith.addi %mul3A_119, %mul3A_121 : i32
      %add3A_123 = arith.addi %multiple_of3A, %add3A_122 : i32
      "tpu.region"() ({
        %run_scoped3A = tpu.sem_alloc : memref<!tpu.dma_semaphore, #tpu.memory_space<semaphore_mem>>
        %dma_start3A = tpu.memref_slice %arg7[%add3A_122] : memref<19248xi32, #tpu.memory_space<vmem>> -> memref<16xi32, #tpu.memory_space<vmem>>
        %dma_start3A_125 = tpu.memref_slice %arg10[%add3A_123] : memref<317440xi32, #tpu.memory_space<vmem_shared>> -> memref<16xi32, #tpu.memory_space<vmem_shared>>
        %dma_start3A_126 = tpu.memref_slice %arg10[%add3A_123] : memref<317440xi32, #tpu.memory_space<vmem_shared>> -> memref<16xi32, #tpu.memory_space<vmem_shared>>
        %dma_start3A_127 = tpu.memref_slice %arg7[%add3A_122] : memref<19248xi32, #tpu.memory_space<vmem>> -> memref<16xi32, #tpu.memory_space<vmem>>
        tpu.enqueue_dma source(%dma_start3A_127 : memref<16xi32, #tpu.memory_space<vmem>>) target(%dma_start3A_126 : memref<16xi32, #tpu.memory_space<vmem_shared>>) target_semaphore(%run_scoped3A : memref<!tpu.dma_semaphore, #tpu.memory_space<semaphore_mem>>)
        %dma_wait3A = tpu.memref_slice %arg7[%add3A_122] : memref<19248xi32, #tpu.memory_space<vmem>> -> memref<16xi32, #tpu.memory_space<vmem>>
        %dma_wait3A_128 = tpu.memref_slice %arg10[%add3A_123] : memref<317440xi32, #tpu.memory_space<vmem_shared>> -> memref<16xi32, #tpu.memory_space<vmem_shared>>
        %dma_wait3A_129 = tpu.memref_slice %arg10[%add3A_123] : memref<317440xi32, #tpu.memory_space<vmem_shared>> -> memref<16xi32, #tpu.memory_space<vmem_shared>>
        %dma_wait3A_130 = tpu.memref_slice %arg7[%add3A_122] : memref<19248xi32, #tpu.memory_space<vmem>> -> memref<16xi32, #tpu.memory_space<vmem>>
        tpu.wait_dma2 semaphore(%run_scoped3A : memref<!tpu.dma_semaphore, #tpu.memory_space<semaphore_mem>>) src(%dma_wait3A_130 : memref<16xi32, #tpu.memory_space<vmem>>) dst(%dma_wait3A_129 : memref<16xi32, #tpu.memory_space<vmem_shared>>)
        tpu.yield
      }) : () -> ()
      %add3A_124 = arith.addi %multiple_of3A, %add3A_122 : i32
      "tpu.region"() ({
        %run_scoped3A = tpu.sem_alloc : memref<!tpu.dma_semaphore, #tpu.memory_space<semaphore_mem>>
        %dma_start3A = tpu.memref_slice %arg8[%add3A_122] : memref<19248xf32, #tpu.memory_space<vmem>> -> memref<16xf32, #tpu.memory_space<vmem>>
        %dma_start3A_125 = tpu.memref_slice %arg11[%add3A_124] : memref<317440xf32, #tpu.memory_space<vmem_shared>> -> memref<16xf32, #tpu.memory_space<vmem_shared>>
        %dma_start3A_126 = tpu.memref_slice %arg11[%add3A_124] : memref<317440xf32, #tpu.memory_space<vmem_shared>> -> memref<16xf32, #tpu.memory_space<vmem_shared>>
        %dma_start3A_127 = tpu.memref_slice %arg8[%add3A_122] : memref<19248xf32, #tpu.memory_space<vmem>> -> memref<16xf32, #tpu.memory_space<vmem>>
        tpu.enqueue_dma source(%dma_start3A_127 : memref<16xf32, #tpu.memory_space<vmem>>) target(%dma_start3A_126 : memref<16xf32, #tpu.memory_space<vmem_shared>>) target_semaphore(%run_scoped3A : memref<!tpu.dma_semaphore, #tpu.memory_space<semaphore_mem>>)
        %dma_wait3A = tpu.memref_slice %arg8[%add3A_122] : memref<19248xf32, #tpu.memory_space<vmem>> -> memref<16xf32, #tpu.memory_space<vmem>>
        %dma_wait3A_128 = tpu.memref_slice %arg11[%add3A_124] : memref<317440xf32, #tpu.memory_space<vmem_shared>> -> memref<16xf32, #tpu.memory_space<vmem_shared>>
        %dma_wait3A_129 = tpu.memref_slice %arg11[%add3A_124] : memref<317440xf32, #tpu.memory_space<vmem_shared>> -> memref<16xf32, #tpu.memory_space<vmem_shared>>
        %dma_wait3A_130 = tpu.memref_slice %arg8[%add3A_122] : memref<19248xf32, #tpu.memory_space<vmem>> -> memref<16xf32, #tpu.memory_space<vmem>>
        tpu.wait_dma2 semaphore(%run_scoped3A : memref<!tpu.dma_semaphore, #tpu.memory_space<semaphore_mem>>) src(%dma_wait3A_130 : memref<16xf32, #tpu.memory_space<vmem>>) dst(%dma_wait3A_129 : memref<16xf32, #tpu.memory_space<vmem_shared>>)
        tpu.yield
      }) : () -> ()
    }
    %barrier3A_108 = arith.constant 0 : index
    tpu.barrier barrier_id(%barrier3A_108)
    %sc_fetch_and_add3A_109 = arith.constant 0 : i32
    %sc_fetch_and_add3A_110 = arith.constant 0 : i32
    %sc_fetch_and_add3A_111 = arith.constant 0 : i32
    %sc_fetch_and_add3A_112 = tpu.fetch_and_add_sync %arg12[%sc_fetch_and_add3A_110], %sc_fetch_and_add3A_109, %sc_fetch_and_add3A_111 : memref<1xi32, #tpu.memory_space<smem>>, i32 -> i32
    %lt3A = arith.constant 15 : i32
    %lt3A_113 = arith.cmpi slt, %arg1, %lt3A : i32
    %convert_element_type3A_114 = arith.extui %lt3A_113 : i1 to i32
    %cond3A_115 = arith.constant 0 : i32
    %cond3A_116 = arith.cmpi ne, %convert_element_type3A_114, %cond3A_115 : i32
    scf.if %cond3A_116 {
      %mul3A_117 = arith.constant 15 : i32
      %mul3A_118 = arith.muli %arg0, %mul3A_117 : i32
      %add3A_119 = arith.addi %mul3A_118, %arg1 : i32
      %mul3A_120 = arith.constant 30720 : i32
      %mul3A_121 = arith.muli %add3A_119, %mul3A_120 : i32
      %parallel_loop3A = arith.constant 0 : i32
      %parallel_loop3A_122 = arith.constant 1920 : i32
      %parallel_loop3A_123 = arith.constant 1 : i32
      scf.for %parallel_loop3A_162 = %parallel_loop3A to %parallel_loop3A_122 step %parallel_loop3A_123  : i32 {
        %parallel_loop3A_163 = arith.constant 0x7F800000 : f32
        %parallel_loop3A_164 = vector.broadcast %parallel_loop3A_163 : f32 to vector<16xf32>
        %parallel_loop3A_165 = arith.constant 16 : i32
        %parallel_loop3A_166 = arith.muli %parallel_loop3A_162, %parallel_loop3A_165 : i32
        %parallel_loop3A_167 = arith.index_cast %parallel_loop3A_166 : i32 to index
        %parallel_loop3A_168 = tpu.vector_load %arg9[%parallel_loop3A_167] {strides = array<i32>} : memref<30720xf32, #tpu.memory_space<vmem>>, vector<16xf32>,
        tpu.vector_store %arg9[%parallel_loop3A_167], %parallel_loop3A_164 {strides = array<i32>} : memref<30720xf32, #tpu.memory_space<vmem>>, vector<16xf32>,
      } {sc.loop_unroll_factor = 8 : i64, sc.parallel_access}
      %add3A_124 = arith.constant 2048 : i32
      %add3A_125 = arith.addi %sc_fetch_and_add3A_112, %add3A_124 : i32
      %sub3A_126 = arith.constant 1 : i32
      %sub3A_127 = arith.subi %add3A_125, %sub3A_126 : i32
      %jit3A_128 = arith.constant 2048 : i32
      %div3A_129 = arith.divsi %sub3A_127, %jit3A_128 : i32
      %sign3A_130 = arith.constant 0 : i32
      %sign3A_131 = arith.cmpi sgt, %sub3A_127, %sign3A_130 : i32
      %sign3A_132 = arith.extui %sign3A_131 : i1 to i32
      %sign3A_133 = arith.constant 0 : i32
      %sign3A_134 = arith.cmpi slt, %sub3A_127, %sign3A_133 : i32
      %sign3A_135 = arith.extui %sign3A_134 : i1 to i32
      %sign3A_136 = arith.subi %sign3A_132, %sign3A_135 : i32
      %sign3A_137 = arith.constant 0 : i32
      %sign3A_138 = arith.cmpi sgt, %jit3A_128, %sign3A_137 : i32
      %sign3A_139 = arith.extui %sign3A_138 : i1 to i32
      %sign3A_140 = arith.constant 0 : i32
      %sign3A_141 = arith.cmpi slt, %jit3A_128, %sign3A_140 : i32
      %sign3A_142 = arith.extui %sign3A_141 : i1 to i32
      %sign3A_143 = arith.subi %sign3A_139, %sign3A_142 : i32
      %ne3A_144 = arith.cmpi ne, %sign3A_136, %sign3A_143 : i32
      %rem3A_145 = arith.remsi %sub3A_127, %jit3A_128 : i32
      %ne3A_146 = arith.constant 0 : i32
      %ne3A_147 = arith.cmpi ne, %rem3A_145, %ne3A_146 : i32
      %and3A_148 = arith.andi %ne3A_144, %ne3A_147 : i1
      %sub3A_149 = arith.constant 1 : i32
      %sub3A_150 = arith.subi %div3A_129, %sub3A_149 : i32
      %select_n3A_151 = arith.select %and3A_148, %sub3A_150, %div3A_129 : i32
      %while3A_152 = arith.constant 0 : i32
      %while3A_153 = arith.constant 0 : i32
      %while3A_154 = arith.subi %select_n3A_151, %while3A_153 : i32
      %while3A_155 = arith.addi %while3A_153, %while3A_154 : i32
      %while3A_156 = arith.constant 1 : i32
      %while3A_157 = arith.divsi %while3A_154, %while3A_156 : i32
      %while3A_158 = arith.muli %while3A_157, %while3A_156 : i32
      %while3A_159 = arith.addi %while3A_153, %while3A_158 : i32
      %while3A_160 = arith.constant 1 : i32
      scf.for %while3A_162 = %while3A_153 to %while3A_159 step %while3A_160  : i32 {
        %mul3A_163 = arith.constant 2048 : i32
        %mul3A_164 = arith.muli %while3A_162, %mul3A_163 : i32
        "tpu.region"() ({
          %run_scoped3A = tpu.sem_alloc : memref<!tpu.dma_semaphore, #tpu.memory_space<semaphore_mem>>
          %dma_start3A = arith.constant 0 : i32
          %dma_start3A_205 = tpu.memref_slice %arg5[%dma_start3A] : memref<3840xi32, #tpu.memory_space<vmem>> -> memref<2048xi32, #tpu.memory_space<vmem>>
          %dma_start3A_206 = tpu.memref_slice %arg10[%mul3A_164] : memref<317440xi32, #tpu.memory_space<vmem_shared>> -> memref<2048xi32, #tpu.memory_space<vmem_shared>>
          %dma_start3A_207 = arith.constant 0 : i32
          %dma_start3A_208 = tpu.memref_slice %arg5[%dma_start3A_207] : memref<3840xi32, #tpu.memory_space<vmem>> -> memref<2048xi32, #tpu.memory_space<vmem>>
          %dma_start3A_209 = tpu.memref_slice %arg10[%mul3A_164] : memref<317440xi32, #tpu.memory_space<vmem_shared>> -> memref<2048xi32, #tpu.memory_space<vmem_shared>>
          tpu.enqueue_dma source(%dma_start3A_209 : memref<2048xi32, #tpu.memory_space<vmem_shared>>) target(%dma_start3A_208 : memref<2048xi32, #tpu.memory_space<vmem>>) target_semaphore(%run_scoped3A : memref<!tpu.dma_semaphore, #tpu.memory_space<semaphore_mem>>)
          %dma_wait3A = arith.constant 0 : i32
          %dma_wait3A_210 = tpu.memref_slice %arg5[%dma_wait3A] : memref<3840xi32, #tpu.memory_space<vmem>> -> memref<2048xi32, #tpu.memory_space<vmem>>
          %dma_wait3A_211 = tpu.memref_slice %arg10[%mul3A_164] : memref<317440xi32, #tpu.memory_space<vmem_shared>> -> memref<2048xi32, #tpu.memory_space<vmem_shared>>
          %dma_wait3A_212 = arith.constant 0 : i32
          %dma_wait3A_213 = tpu.memref_slice %arg5[%dma_wait3A_212] : memref<3840xi32, #tpu.memory_space<vmem>> -> memref<2048xi32, #tpu.memory_space<vmem>>
          %dma_wait3A_214 = tpu.memref_slice %arg10[%mul3A_164] : memref<317440xi32, #tpu.memory_space<vmem_shared>> -> memref<2048xi32, #tpu.memory_space<vmem_shared>>
          tpu.wait_dma2 semaphore(%run_scoped3A : memref<!tpu.dma_semaphore, #tpu.memory_space<semaphore_mem>>) src(%dma_wait3A_214 : memref<2048xi32, #tpu.memory_space<vmem_shared>>) dst(%dma_wait3A_213 : memref<2048xi32, #tpu.memory_space<vmem>>)
          tpu.yield
        }) : () -> ()
        %mul3A_165 = arith.constant 2048 : i32
        %mul3A_166 = arith.muli %while3A_162, %mul3A_165 : i32
        "tpu.region"() ({
          %run_scoped3A = tpu.sem_alloc : memref<!tpu.dma_semaphore, #tpu.memory_space<semaphore_mem>>
          %dma_start3A = arith.constant 0 : i32
          %dma_start3A_205 = tpu.memref_slice %arg6[%dma_start3A] : memref<3840xf32, #tpu.memory_space<vmem>> -> memref<2048xf32, #tpu.memory_space<vmem>>
          %dma_start3A_206 = tpu.memref_slice %arg11[%mul3A_166] : memref<317440xf32, #tpu.memory_space<vmem_shared>> -> memref<2048xf32, #tpu.memory_space<vmem_shared>>
          %dma_start3A_207 = arith.constant 0 : i32
          %dma_start3A_208 = tpu.memref_slice %arg6[%dma_start3A_207] : memref<3840xf32, #tpu.memory_space<vmem>> -> memref<2048xf32, #tpu.memory_space<vmem>>
          %dma_start3A_209 = tpu.memref_slice %arg11[%mul3A_166] : memref<317440xf32, #tpu.memory_space<vmem_shared>> -> memref<2048xf32, #tpu.memory_space<vmem_shared>>
          tpu.enqueue_dma source(%dma_start3A_209 : memref<2048xf32, #tpu.memory_space<vmem_shared>>) target(%dma_start3A_208 : memref<2048xf32, #tpu.memory_space<vmem>>) target_semaphore(%run_scoped3A : memref<!tpu.dma_semaphore, #tpu.memory_space<semaphore_mem>>)
          %dma_wait3A = arith.constant 0 : i32
          %dma_wait3A_210 = tpu.memref_slice %arg6[%dma_wait3A] : memref<3840xf32, #tpu.memory_space<vmem>> -> memref<2048xf32, #tpu.memory_space<vmem>>
          %dma_wait3A_211 = tpu.memref_slice %arg11[%mul3A_166] : memref<317440xf32, #tpu.memory_space<vmem_shared>> -> memref<2048xf32, #tpu.memory_space<vmem_shared>>
          %dma_wait3A_212 = arith.constant 0 : i32
          %dma_wait3A_213 = tpu.memref_slice %arg6[%dma_wait3A_212] : memref<3840xf32, #tpu.memory_space<vmem>> -> memref<2048xf32, #tpu.memory_space<vmem>>
          %dma_wait3A_214 = tpu.memref_slice %arg11[%mul3A_166] : memref<317440xf32, #tpu.memory_space<vmem_shared>> -> memref<2048xf32, #tpu.memory_space<vmem_shared>>
          tpu.wait_dma2 semaphore(%run_scoped3A : memref<!tpu.dma_semaphore, #tpu.memory_space<semaphore_mem>>) src(%dma_wait3A_214 : memref<2048xf32, #tpu.memory_space<vmem_shared>>) dst(%dma_wait3A_213 : memref<2048xf32, #tpu.memory_space<vmem>>)
          tpu.yield
        }) : () -> ()
        %mul3A_167 = arith.constant 2048 : i32
        %mul3A_168 = arith.muli %while3A_162, %mul3A_167 : i32
        %sub3A_169 = arith.subi %sc_fetch_and_add3A_112, %mul3A_168 : i32
        %min3A = arith.constant 2048 : i32
        %min3A_170 = arith.minsi %min3A, %sub3A_169 : i32
        %jit3A_171 = arith.constant 16 : i32
        %div3A_172 = arith.divsi %min3A_170, %jit3A_171 : i32
        %sign3A_173 = arith.constant 0 : i32
        %sign3A_174 = arith.cmpi sgt, %min3A_170, %sign3A_173 : i32
        %sign3A_175 = arith.extui %sign3A_174 : i1 to i32
        %sign3A_176 = arith.constant 0 : i32
        %sign3A_177 = arith.cmpi slt, %min3A_170, %sign3A_176 : i32
        %sign3A_178 = arith.extui %sign3A_177 : i1 to i32
        %sign3A_179 = arith.subi %sign3A_175, %sign3A_178 : i32
        %sign3A_180 = arith.constant 0 : i32
        %sign3A_181 = arith.cmpi sgt, %jit3A_171, %sign3A_180 : i32
        %sign3A_182 = arith.extui %sign3A_181 : i1 to i32
        %sign3A_183 = arith.constant 0 : i32
        %sign3A_184 = arith.cmpi slt, %jit3A_171, %sign3A_183 : i32
        %sign3A_185 = arith.extui %sign3A_184 : i1 to i32
        %sign3A_186 = arith.subi %sign3A_182, %sign3A_185 : i32
        %ne3A_187 = arith.cmpi ne, %sign3A_179, %sign3A_186 : i32
        %rem3A_188 = arith.remsi %min3A_170, %jit3A_171 : i32
        %ne3A_189 = arith.constant 0 : i32
        %ne3A_190 = arith.cmpi ne, %rem3A_188, %ne3A_189 : i32
        %and3A_191 = arith.andi %ne3A_187, %ne3A_190 : i1
        %sub3A_192 = arith.constant 1 : i32
        %sub3A_193 = arith.subi %div3A_172, %sub3A_192 : i32
        %select_n3A_194 = arith.select %and3A_191, %sub3A_193, %div3A_172 : i32
        %while3A_195 = arith.constant 0 : i32
        %while3A_196 = arith.constant 0 : i32
        %while3A_197 = arith.subi %select_n3A_194, %while3A_196 : i32
        %while3A_198 = arith.addi %while3A_196, %while3A_197 : i32
        %while3A_199 = arith.constant 1 : i32
        %while3A_200 = arith.divsi %while3A_197, %while3A_199 : i32
        %while3A_201 = arith.muli %while3A_200, %while3A_199 : i32
        %while3A_202 = arith.addi %while3A_196, %while3A_201 : i32
        %while3A_203 = arith.constant 1 : i32
        scf.for %while3A_205 = %while3A_196 to %while3A_202 step %while3A_203  : i32 {
          %mul3A_206 = arith.constant 16 : i32
          %mul3A_207 = arith.muli %while3A_205, %mul3A_206 : i32
          %get3A = arith.index_cast %mul3A_207 : i32 to index
          %get3A_208 = tpu.vector_load %arg5[%get3A] {strides = array<i32>} : memref<3840xi32, #tpu.memory_space<vmem>>, vector<16xi32>,
          %mul3A_209 = arith.constant 16 : i32
          %mul3A_210 = arith.muli %while3A_205, %mul3A_209 : i32
          %get3A_211 = arith.index_cast %mul3A_210 : i32 to index
          %get3A_212 = tpu.vector_load %arg6[%get3A_211] {strides = array<i32>} : memref<3840xf32, #tpu.memory_space<vmem>>, vector<16xf32>,
          %ge3A = vector.broadcast %mul3A_121 : i32 to vector<16xi32>
          %ge3A_213 = arith.cmpi sge, %get3A_208, %ge3A : vector<16xi32>
          %add3A_214 = arith.constant 30720 : i32
          %add3A_215 = arith.addi %mul3A_121, %add3A_214 : i32
          %lt3A_216 = vector.broadcast %add3A_215 : i32 to vector<16xi32>
          %lt3A_217 = arith.cmpi slt, %get3A_208, %lt3A_216 : vector<16xi32>
          %and3A_218 = arith.andi %ge3A_213, %lt3A_217 : vector<16xi1>
          %jit3A_219 = arith.constant 0x7F800000 : f32
          %broadcast_in_dim3A_220 = vector.broadcast %jit3A_219 : f32 to vector<16xf32>
          %select_n3A_221 = arith.select %and3A_218, %get3A_212, %broadcast_in_dim3A_220 : vector<16xi1>, vector<16xf32>
          %sub3A_222 = vector.broadcast %mul3A_121 : i32 to vector<16xi32>
          %sub3A_223 = arith.subi %get3A_208, %sub3A_222 : vector<16xi32>
          %masked_sort3A = arith.constant dense<true> : vector<16xi1>
          %masked_sort3A_224, %masked_sort3A_225, %masked_sort3A_226 = tpu.sort %select_n3A_221, %sub3A_223 masked %masked_sort3A {descending = true} : (vector<16xf32>, vector<16xi32>, vector<16xi1>) -> (vector<16xi1>, vector<16xf32>, vector<16xi32>)
          %lt3A_227 = arith.constant 0x7F800000 : f32
          %lt3A_228 = vector.broadcast %lt3A_227 : f32 to vector<16xf32>
          %lt3A_229 = arith.cmpf olt, %masked_sort3A_225, %lt3A_228 : vector<16xf32>
          %jit3A_230 = arith.constant 0 : i32
          %broadcast_in_dim3A_231 = vector.broadcast %jit3A_230 : i32 to vector<16xi32>
          %select_n3A_232 = arith.select %lt3A_229, %masked_sort3A_226, %broadcast_in_dim3A_231 : vector<16xi1>, vector<16xi32>
          %gather3A = tpu.vector_load_idx %arg9[%select_n3A_232] : memref<30720xf32, #tpu.memory_space<vmem>>[vector<16xi32>], vector<16xf32>,
          %lt3A_233 = arith.cmpf olt, %masked_sort3A_225, %gather3A : vector<16xf32>
          %and3A_234 = arith.andi %lt3A_229, %lt3A_233 : vector<16xi1>
          tpu.vector_store_idx %arg9[%select_n3A_232], %masked_sort3A_225 masked %and3A_234 : memref<30720xf32, #tpu.memory_space<vmem>>[vector<16xi32>], vector<16xf32>, vector<16xi1>
        }
        %while3A_204 = arith.constant 1 : i32
        scf.for %while3A_205 = %while3A_202 to %while3A_198 step %while3A_204  : i32 {
          %mul3A_206 = arith.constant 16 : i32
          %mul3A_207 = arith.muli %while3A_205, %mul3A_206 : i32
          %get3A = arith.index_cast %mul3A_207 : i32 to index
          %get3A_208 = tpu.vector_load %arg5[%get3A] {strides = array<i32>} : memref<3840xi32, #tpu.memory_space<vmem>>, vector<16xi32>,
          %mul3A_209 = arith.constant 16 : i32
          %mul3A_210 = arith.muli %while3A_205, %mul3A_209 : i32
          %get3A_211 = arith.index_cast %mul3A_210 : i32 to index
          %get3A_212 = tpu.vector_load %arg6[%get3A_211] {strides = array<i32>} : memref<3840xf32, #tpu.memory_space<vmem>>, vector<16xf32>,
          %ge3A = vector.broadcast %mul3A_121 : i32 to vector<16xi32>
          %ge3A_213 = arith.cmpi sge, %get3A_208, %ge3A : vector<16xi32>
          %add3A_214 = arith.constant 30720 : i32
          %add3A_215 = arith.addi %mul3A_121, %add3A_214 : i32
          %lt3A_216 = vector.broadcast %add3A_215 : i32 to vector<16xi32>
          %lt3A_217 = arith.cmpi slt, %get3A_208, %lt3A_216 : vector<16xi32>
          %and3A_218 = arith.andi %ge3A_213, %lt3A_217 : vector<16xi1>
          %jit3A_219 = arith.constant 0x7F800000 : f32
          %broadcast_in_dim3A_220 = vector.broadcast %jit3A_219 : f32 to vector<16xf32>
          %select_n3A_221 = arith.select %and3A_218, %get3A_212, %broadcast_in_dim3A_220 : vector<16xi1>, vector<16xf32>
          %sub3A_222 = vector.broadcast %mul3A_121 : i32 to vector<16xi32>
          %sub3A_223 = arith.subi %get3A_208, %sub3A_222 : vector<16xi32>
          %masked_sort3A = arith.constant dense<true> : vector<16xi1>
          %masked_sort3A_224, %masked_sort3A_225, %masked_sort3A_226 = tpu.sort %select_n3A_221, %sub3A_223 masked %masked_sort3A {descending = true} : (vector<16xf32>, vector<16xi32>, vector<16xi1>) -> (vector<16xi1>, vector<16xf32>, vector<16xi32>)
          %lt3A_227 = arith.constant 0x7F800000 : f32
          %lt3A_228 = vector.broadcast %lt3A_227 : f32 to vector<16xf32>
          %lt3A_229 = arith.cmpf olt, %masked_sort3A_225, %lt3A_228 : vector<16xf32>
          %jit3A_230 = arith.constant 0 : i32
          %broadcast_in_dim3A_231 = vector.broadcast %jit3A_230 : i32 to vector<16xi32>
          %select_n3A_232 = arith.select %lt3A_229, %masked_sort3A_226, %broadcast_in_dim3A_231 : vector<16xi1>, vector<16xi32>
          %gather3A = tpu.vector_load_idx %arg9[%select_n3A_232] : memref<30720xf32, #tpu.memory_space<vmem>>[vector<16xi32>], vector<16xf32>,
          %lt3A_233 = arith.cmpf olt, %masked_sort3A_225, %gather3A : vector<16xf32>
          %and3A_234 = arith.andi %lt3A_229, %lt3A_233 : vector<16xi1>
          tpu.vector_store_idx %arg9[%select_n3A_232], %masked_sort3A_225 masked %and3A_234 : memref<30720xf32, #tpu.memory_space<vmem>>[vector<16xi32>], vector<16xf32>, vector<16xi1>
        }
      }
      %while3A_161 = arith.constant 1 : i32
      scf.for %while3A_162 = %while3A_159 to %while3A_155 step %while3A_161  : i32 {
        %mul3A_163 = arith.constant 2048 : i32
        %mul3A_164 = arith.muli %while3A_162, %mul3A_163 : i32
        "tpu.region"() ({
          %run_scoped3A = tpu.sem_alloc : memref<!tpu.dma_semaphore, #tpu.memory_space<semaphore_mem>>
          %dma_start3A = arith.constant 0 : i32
          %dma_start3A_205 = tpu.memref_slice %arg5[%dma_start3A] : memref<3840xi32, #tpu.memory_space<vmem>> -> memref<2048xi32, #tpu.memory_space<vmem>>
          %dma_start3A_206 = tpu.memref_slice %arg10[%mul3A_164] : memref<317440xi32, #tpu.memory_space<vmem_shared>> -> memref<2048xi32, #tpu.memory_space<vmem_shared>>
          %dma_start3A_207 = arith.constant 0 : i32
          %dma_start3A_208 = tpu.memref_slice %arg5[%dma_start3A_207] : memref<3840xi32, #tpu.memory_space<vmem>> -> memref<2048xi32, #tpu.memory_space<vmem>>
          %dma_start3A_209 = tpu.memref_slice %arg10[%mul3A_164] : memref<317440xi32, #tpu.memory_space<vmem_shared>> -> memref<2048xi32, #tpu.memory_space<vmem_shared>>
          tpu.enqueue_dma source(%dma_start3A_209 : memref<2048xi32, #tpu.memory_space<vmem_shared>>) target(%dma_start3A_208 : memref<2048xi32, #tpu.memory_space<vmem>>) target_semaphore(%run_scoped3A : memref<!tpu.dma_semaphore, #tpu.memory_space<semaphore_mem>>)
          %dma_wait3A = arith.constant 0 : i32
          %dma_wait3A_210 = tpu.memref_slice %arg5[%dma_wait3A] : memref<3840xi32, #tpu.memory_space<vmem>> -> memref<2048xi32, #tpu.memory_space<vmem>>
          %dma_wait3A_211 = tpu.memref_slice %arg10[%mul3A_164] : memref<317440xi32, #tpu.memory_space<vmem_shared>> -> memref<2048xi32, #tpu.memory_space<vmem_shared>>
          %dma_wait3A_212 = arith.constant 0 : i32
          %dma_wait3A_213 = tpu.memref_slice %arg5[%dma_wait3A_212] : memref<3840xi32, #tpu.memory_space<vmem>> -> memref<2048xi32, #tpu.memory_space<vmem>>
          %dma_wait3A_214 = tpu.memref_slice %arg10[%mul3A_164] : memref<317440xi32, #tpu.memory_space<vmem_shared>> -> memref<2048xi32, #tpu.memory_space<vmem_shared>>
          tpu.wait_dma2 semaphore(%run_scoped3A : memref<!tpu.dma_semaphore, #tpu.memory_space<semaphore_mem>>) src(%dma_wait3A_214 : memref<2048xi32, #tpu.memory_space<vmem_shared>>) dst(%dma_wait3A_213 : memref<2048xi32, #tpu.memory_space<vmem>>)
          tpu.yield
        }) : () -> ()
        %mul3A_165 = arith.constant 2048 : i32
        %mul3A_166 = arith.muli %while3A_162, %mul3A_165 : i32
        "tpu.region"() ({
          %run_scoped3A = tpu.sem_alloc : memref<!tpu.dma_semaphore, #tpu.memory_space<semaphore_mem>>
          %dma_start3A = arith.constant 0 : i32
          %dma_start3A_205 = tpu.memref_slice %arg6[%dma_start3A] : memref<3840xf32, #tpu.memory_space<vmem>> -> memref<2048xf32, #tpu.memory_space<vmem>>
          %dma_start3A_206 = tpu.memref_slice %arg11[%mul3A_166] : memref<317440xf32, #tpu.memory_space<vmem_shared>> -> memref<2048xf32, #tpu.memory_space<vmem_shared>>
          %dma_start3A_207 = arith.constant 0 : i32
          %dma_start3A_208 = tpu.memref_slice %arg6[%dma_start3A_207] : memref<3840xf32, #tpu.memory_space<vmem>> -> memref<2048xf32, #tpu.memory_space<vmem>>
          %dma_start3A_209 = tpu.memref_slice %arg11[%mul3A_166] : memref<317440xf32, #tpu.memory_space<vmem_shared>> -> memref<2048xf32, #tpu.memory_space<vmem_shared>>
          tpu.enqueue_dma source(%dma_start3A_209 : memref<2048xf32, #tpu.memory_space<vmem_shared>>) target(%dma_start3A_208 : memref<2048xf32, #tpu.memory_space<vmem>>) target_semaphore(%run_scoped3A : memref<!tpu.dma_semaphore, #tpu.memory_space<semaphore_mem>>)
          %dma_wait3A = arith.constant 0 : i32
          %dma_wait3A_210 = tpu.memref_slice %arg6[%dma_wait3A] : memref<3840xf32, #tpu.memory_space<vmem>> -> memref<2048xf32, #tpu.memory_space<vmem>>
          %dma_wait3A_211 = tpu.memref_slice %arg11[%mul3A_166] : memref<317440xf32, #tpu.memory_space<vmem_shared>> -> memref<2048xf32, #tpu.memory_space<vmem_shared>>
          %dma_wait3A_212 = arith.constant 0 : i32
          %dma_wait3A_213 = tpu.memref_slice %arg6[%dma_wait3A_212] : memref<3840xf32, #tpu.memory_space<vmem>> -> memref<2048xf32, #tpu.memory_space<vmem>>
          %dma_wait3A_214 = tpu.memref_slice %arg11[%mul3A_166] : memref<317440xf32, #tpu.memory_space<vmem_shared>> -> memref<2048xf32, #tpu.memory_space<vmem_shared>>
          tpu.wait_dma2 semaphore(%run_scoped3A : memref<!tpu.dma_semaphore, #tpu.memory_space<semaphore_mem>>) src(%dma_wait3A_214 : memref<2048xf32, #tpu.memory_space<vmem_shared>>) dst(%dma_wait3A_213 : memref<2048xf32, #tpu.memory_space<vmem>>)
          tpu.yield
        }) : () -> ()
        %mul3A_167 = arith.constant 2048 : i32
        %mul3A_168 = arith.muli %while3A_162, %mul3A_167 : i32
        %sub3A_169 = arith.subi %sc_fetch_and_add3A_112, %mul3A_168 : i32
        %min3A = arith.constant 2048 : i32
        %min3A_170 = arith.minsi %min3A, %sub3A_169 : i32
        %jit3A_171 = arith.constant 16 : i32
        %div3A_172 = arith.divsi %min3A_170, %jit3A_171 : i32
        %sign3A_173 = arith.constant 0 : i32
        %sign3A_174 = arith.cmpi sgt, %min3A_170, %sign3A_173 : i32
        %sign3A_175 = arith.extui %sign3A_174 : i1 to i32
        %sign3A_176 = arith.constant 0 : i32
        %sign3A_177 = arith.cmpi slt, %min3A_170, %sign3A_176 : i32
        %sign3A_178 = arith.extui %sign3A_177 : i1 to i32
        %sign3A_179 = arith.subi %sign3A_175, %sign3A_178 : i32
        %sign3A_180 = arith.constant 0 : i32
        %sign3A_181 = arith.cmpi sgt, %jit3A_171, %sign3A_180 : i32
        %sign3A_182 = arith.extui %sign3A_181 : i1 to i32
        %sign3A_183 = arith.constant 0 : i32
        %sign3A_184 = arith.cmpi slt, %jit3A_171, %sign3A_183 : i32
        %sign3A_185 = arith.extui %sign3A_184 : i1 to i32
        %sign3A_186 = arith.subi %sign3A_182, %sign3A_185 : i32
        %ne3A_187 = arith.cmpi ne, %sign3A_179, %sign3A_186 : i32
        %rem3A_188 = arith.remsi %min3A_170, %jit3A_171 : i32
        %ne3A_189 = arith.constant 0 : i32
        %ne3A_190 = arith.cmpi ne, %rem3A_188, %ne3A_189 : i32
        %and3A_191 = arith.andi %ne3A_187, %ne3A_190 : i1
        %sub3A_192 = arith.constant 1 : i32
        %sub3A_193 = arith.subi %div3A_172, %sub3A_192 : i32
        %select_n3A_194 = arith.select %and3A_191, %sub3A_193, %div3A_172 : i32
        %while3A_195 = arith.constant 0 : i32
        %while3A_196 = arith.constant 0 : i32
        %while3A_197 = arith.subi %select_n3A_194, %while3A_196 : i32
        %while3A_198 = arith.addi %while3A_196, %while3A_197 : i32
        %while3A_199 = arith.constant 1 : i32
        %while3A_200 = arith.divsi %while3A_197, %while3A_199 : i32
        %while3A_201 = arith.muli %while3A_200, %while3A_199 : i32
        %while3A_202 = arith.addi %while3A_196, %while3A_201 : i32
        %while3A_203 = arith.constant 1 : i32
        scf.for %while3A_205 = %while3A_196 to %while3A_202 step %while3A_203  : i32 {
          %mul3A_206 = arith.constant 16 : i32
          %mul3A_207 = arith.muli %while3A_205, %mul3A_206 : i32
          %get3A = arith.index_cast %mul3A_207 : i32 to index
          %get3A_208 = tpu.vector_load %arg5[%get3A] {strides = array<i32>} : memref<3840xi32, #tpu.memory_space<vmem>>, vector<16xi32>,
          %mul3A_209 = arith.constant 16 : i32
          %mul3A_210 = arith.muli %while3A_205, %mul3A_209 : i32
          %get3A_211 = arith.index_cast %mul3A_210 : i32 to index
          %get3A_212 = tpu.vector_load %arg6[%get3A_211] {strides = array<i32>} : memref<3840xf32, #tpu.memory_space<vmem>>, vector<16xf32>,
          %ge3A = vector.broadcast %mul3A_121 : i32 to vector<16xi32>
          %ge3A_213 = arith.cmpi sge, %get3A_208, %ge3A : vector<16xi32>
          %add3A_214 = arith.constant 30720 : i32
          %add3A_215 = arith.addi %mul3A_121, %add3A_214 : i32
          %lt3A_216 = vector.broadcast %add3A_215 : i32 to vector<16xi32>
          %lt3A_217 = arith.cmpi slt, %get3A_208, %lt3A_216 : vector<16xi32>
          %and3A_218 = arith.andi %ge3A_213, %lt3A_217 : vector<16xi1>
          %jit3A_219 = arith.constant 0x7F800000 : f32
          %broadcast_in_dim3A_220 = vector.broadcast %jit3A_219 : f32 to vector<16xf32>
          %select_n3A_221 = arith.select %and3A_218, %get3A_212, %broadcast_in_dim3A_220 : vector<16xi1>, vector<16xf32>
          %sub3A_222 = vector.broadcast %mul3A_121 : i32 to vector<16xi32>
          %sub3A_223 = arith.subi %get3A_208, %sub3A_222 : vector<16xi32>
          %masked_sort3A = arith.constant dense<true> : vector<16xi1>
          %masked_sort3A_224, %masked_sort3A_225, %masked_sort3A_226 = tpu.sort %select_n3A_221, %sub3A_223 masked %masked_sort3A {descending = true} : (vector<16xf32>, vector<16xi32>, vector<16xi1>) -> (vector<16xi1>, vector<16xf32>, vector<16xi32>)
          %lt3A_227 = arith.constant 0x7F800000 : f32
          %lt3A_228 = vector.broadcast %lt3A_227 : f32 to vector<16xf32>
          %lt3A_229 = arith.cmpf olt, %masked_sort3A_225, %lt3A_228 : vector<16xf32>
          %jit3A_230 = arith.constant 0 : i32
          %broadcast_in_dim3A_231 = vector.broadcast %jit3A_230 : i32 to vector<16xi32>
          %select_n3A_232 = arith.select %lt3A_229, %masked_sort3A_226, %broadcast_in_dim3A_231 : vector<16xi1>, vector<16xi32>
          %gather3A = tpu.vector_load_idx %arg9[%select_n3A_232] : memref<30720xf32, #tpu.memory_space<vmem>>[vector<16xi32>], vector<16xf32>,
          %lt3A_233 = arith.cmpf olt, %masked_sort3A_225, %gather3A : vector<16xf32>
          %and3A_234 = arith.andi %lt3A_229, %lt3A_233 : vector<16xi1>
          tpu.vector_store_idx %arg9[%select_n3A_232], %masked_sort3A_225 masked %and3A_234 : memref<30720xf32, #tpu.memory_space<vmem>>[vector<16xi32>], vector<16xf32>, vector<16xi1>
        }
        %while3A_204 = arith.constant 1 : i32
        scf.for %while3A_205 = %while3A_202 to %while3A_198 step %while3A_204  : i32 {
          %mul3A_206 = arith.constant 16 : i32
          %mul3A_207 = arith.muli %while3A_205, %mul3A_206 : i32
          %get3A = arith.index_cast %mul3A_207 : i32 to index
          %get3A_208 = tpu.vector_load %arg5[%get3A] {strides = array<i32>} : memref<3840xi32, #tpu.memory_space<vmem>>, vector<16xi32>,
          %mul3A_209 = arith.constant 16 : i32
          %mul3A_210 = arith.muli %while3A_205, %mul3A_209 : i32
          %get3A_211 = arith.index_cast %mul3A_210 : i32 to index
          %get3A_212 = tpu.vector_load %arg6[%get3A_211] {strides = array<i32>} : memref<3840xf32, #tpu.memory_space<vmem>>, vector<16xf32>,
          %ge3A = vector.broadcast %mul3A_121 : i32 to vector<16xi32>
          %ge3A_213 = arith.cmpi sge, %get3A_208, %ge3A : vector<16xi32>
          %add3A_214 = arith.constant 30720 : i32
          %add3A_215 = arith.addi %mul3A_121, %add3A_214 : i32
          %lt3A_216 = vector.broadcast %add3A_215 : i32 to vector<16xi32>
          %lt3A_217 = arith.cmpi slt, %get3A_208, %lt3A_216 : vector<16xi32>
          %and3A_218 = arith.andi %ge3A_213, %lt3A_217 : vector<16xi1>
          %jit3A_219 = arith.constant 0x7F800000 : f32
          %broadcast_in_dim3A_220 = vector.broadcast %jit3A_219 : f32 to vector<16xf32>
          %select_n3A_221 = arith.select %and3A_218, %get3A_212, %broadcast_in_dim3A_220 : vector<16xi1>, vector<16xf32>
          %sub3A_222 = vector.broadcast %mul3A_121 : i32 to vector<16xi32>
          %sub3A_223 = arith.subi %get3A_208, %sub3A_222 : vector<16xi32>
          %masked_sort3A = arith.constant dense<true> : vector<16xi1>
          %masked_sort3A_224, %masked_sort3A_225, %masked_sort3A_226 = tpu.sort %select_n3A_221, %sub3A_223 masked %masked_sort3A {descending = true} : (vector<16xf32>, vector<16xi32>, vector<16xi1>) -> (vector<16xi1>, vector<16xf32>, vector<16xi32>)
          %lt3A_227 = arith.constant 0x7F800000 : f32
          %lt3A_228 = vector.broadcast %lt3A_227 : f32 to vector<16xf32>
          %lt3A_229 = arith.cmpf olt, %masked_sort3A_225, %lt3A_228 : vector<16xf32>
          %jit3A_230 = arith.constant 0 : i32
          %broadcast_in_dim3A_231 = vector.broadcast %jit3A_230 : i32 to vector<16xi32>
          %select_n3A_232 = arith.select %lt3A_229, %masked_sort3A_226, %broadcast_in_dim3A_231 : vector<16xi1>, vector<16xi32>
          %gather3A = tpu.vector_load_idx %arg9[%select_n3A_232] : memref<30720xf32, #tpu.memory_space<vmem>>[vector<16xi32>], vector<16xf32>,
          %lt3A_233 = arith.cmpf olt, %masked_sort3A_225, %gather3A : vector<16xf32>
          %and3A_234 = arith.andi %lt3A_229, %lt3A_233 : vector<16xi1>
          tpu.vector_store_idx %arg9[%select_n3A_232], %masked_sort3A_225 masked %and3A_234 : memref<30720xf32, #tpu.memory_space<vmem>>[vector<16xi32>], vector<16xf32>, vector<16xi1>
        }
      }
      "tpu.region"() ({
        %run_scoped3A = tpu.sem_alloc : memref<!tpu.dma_semaphore, #tpu.memory_space<semaphore_mem>>
        %dma_start3A = tpu.memref_slice %arg4[%mul3A_121] : memref<921600xf32, #tpu.memory_space<hbm>> -> memref<30720xf32, #tpu.memory_space<hbm>>
        %dma_start3A_162 = tpu.memref_slice %arg4[%mul3A_121] : memref<921600xf32, #tpu.memory_space<hbm>> -> memref<30720xf32, #tpu.memory_space<hbm>>
        tpu.enqueue_dma source(%arg9 : memref<30720xf32, #tpu.memory_space<vmem>>) target(%dma_start3A_162 : memref<30720xf32, #tpu.memory_space<hbm>>) target_semaphore(%run_scoped3A : memref<!tpu.dma_semaphore, #tpu.memory_space<semaphore_mem>>)
        %dma_wait3A = tpu.memref_slice %arg4[%mul3A_121] : memref<921600xf32, #tpu.memory_space<hbm>> -> memref<30720xf32, #tpu.memory_space<hbm>>
        %dma_wait3A_163 = tpu.memref_slice %arg4[%mul3A_121] : memref<921600xf32, #tpu.memory_space<hbm>> -> memref<30720xf32, #tpu.memory_space<hbm>>
        tpu.wait_dma2 semaphore(%run_scoped3A : memref<!tpu.dma_semaphore, #tpu.memory_space<semaphore_mem>>) src(%arg9 : memref<30720xf32, #tpu.memory_space<vmem>>) dst(%dma_wait3A_163 : memref<30720xf32, #tpu.memory_space<hbm>>)
        tpu.yield
      }) : () -> ()
    } else {
    }
    return
  }
}

module attributes {stable_mosaic.version = 14 : i64} {
  func.func @_loss_body(%arg0: memref<3x480x640xf32, #tpu.memory_space<vmem>>, %arg1: memref<3x480x640xf32, #tpu.memory_space<vmem>>, %arg2: memref<1x1xf32, #tpu.memory_space<smem>>, %arg3: memref<3x480x640xf32, #tpu.memory_space<vmem>>) attributes {dimension_semantics = [], scalar_prefetch = 0 : i64, scratch_operands = 0 : i64, tpu.core_type = #tpu.core_type<tc>} {
    %get3A = arith.constant 0 : index
    %get3A_0 = arith.constant 0 : index
    %get3A_1 = arith.constant 0 : index
    %get3A_2 = vector.load %arg0[%get3A, %get3A_0, %get3A_1] : memref<3x480x640xf32, #tpu.memory_space<vmem>>, vector<1x480x640xf32>
    %get3A_3 = vector.shape_cast %get3A_2 : vector<1x480x640xf32> to vector<480x640xf32>
    %get3A_4 = arith.constant 0 : index
    %get3A_5 = arith.constant 0 : index
    %get3A_6 = arith.constant 0 : index
    %get3A_7 = vector.load %arg1[%get3A_4, %get3A_5, %get3A_6] : memref<3x480x640xf32, #tpu.memory_space<vmem>>, vector<1x480x640xf32>
    %get3A_8 = vector.shape_cast %get3A_7 : vector<1x480x640xf32> to vector<480x640xf32>
    %ne3A = arith.constant 0x7F800000 : f32
    %ne3A_9 = vector.broadcast %ne3A : f32 to vector<480x640xf32>
    %ne3A_10 = arith.cmpf one, %get3A_3, %ne3A_9 : vector<480x640xf32>
    %ne3A_11 = arith.constant 0.000000e+00 : f32
    %ne3A_12 = vector.broadcast %ne3A_11 : f32 to vector<480x640xf32>
    %ne3A_13 = arith.cmpf one, %get3A_8, %ne3A_12 : vector<480x640xf32>
    %and3A = arith.andi %ne3A_10, %ne3A_13 : vector<480x640xi1>
    %convert_element_type3A = arith.extui %and3A : vector<480x640xi1> to vector<480x640xi32>
    %convert_element_type3A_14 = arith.sitofp %convert_element_type3A : vector<480x640xi32> to vector<480x640xf32>
    %reduce_sum3A = vector.shape_cast %convert_element_type3A_14 : vector<480x640xf32> to vector<1x480x640xf32>
    %reduce_sum3A_15 = arith.constant dense<0.000000e+00> : vector<1xf32>
    %reduce_sum3A_16 = vector.multi_reduction <add>, %reduce_sum3A, %reduce_sum3A_15 [1, 2] : vector<1x480x640xf32> to vector<1xf32>
    %reduce_sum3A_17 = vector.shape_cast %reduce_sum3A_16 : vector<1xf32> to vector<1x1x1xf32>
    %reduce_sum3A_18 = vector.extract %reduce_sum3A_17[0, 0, 0] : f32 from vector<1x1x1xf32>
    %jit3A = arith.constant 0.000000e+00 : f32
    %broadcast_in_dim3A = vector.broadcast %jit3A : f32 to vector<480x640xf32>
    %select_n3A = arith.select %and3A, %get3A_3, %broadcast_in_dim3A : vector<480x640xi1>, vector<480x640xf32>
    %jit3A_19 = arith.constant 0.000000e+00 : f32
    %broadcast_in_dim3A_20 = vector.broadcast %jit3A_19 : f32 to vector<480x640xf32>
    %select_n3A_21 = arith.select %and3A, %get3A_8, %broadcast_in_dim3A_20 : vector<480x640xi1>, vector<480x640xf32>
    %jit3A_22 = arith.constant 0x7F800000 : f32
    %broadcast_in_dim3A_23 = vector.broadcast %jit3A_22 : f32 to vector<480x640xf32>
    %select_n3A_24 = arith.select %and3A, %select_n3A, %broadcast_in_dim3A_23 : vector<480x640xi1>, vector<480x640xf32>
    %reduce_min3A = vector.shape_cast %select_n3A_24 : vector<480x640xf32> to vector<1x480x640xf32>
    %reduce_min3A_25 = arith.constant dense<0x7F800000> : vector<1xf32>
    %reduce_min3A_26 = vector.multi_reduction <minimumf>, %reduce_min3A, %reduce_min3A_25 [1, 2] : vector<1x480x640xf32> to vector<1xf32>
    %reduce_min3A_27 = vector.shape_cast %reduce_min3A_26 : vector<1xf32> to vector<1x1x1xf32>
    %reduce_min3A_28 = vector.extract %reduce_min3A_27[0, 0, 0] : f32 from vector<1x1x1xf32>
    %is_finite3A = tpu.weird %reduce_min3A_28 : f32 -> i1
    %is_finite3A_29 = arith.constant true
    %is_finite3A_30 = arith.xori %is_finite3A, %is_finite3A_29 : i1
    %jit3A_31 = arith.constant 0.000000e+00 : f32
    %select_n3A_32 = arith.select %is_finite3A_30, %reduce_min3A_28, %jit3A_31 : f32
    %sub3A = vector.broadcast %select_n3A_32 : f32 to vector<480x640xf32>
    %sub3A_33 = arith.subf %select_n3A, %sub3A : vector<480x640xf32>
    %jit3A_34 = arith.constant 0xFF800000 : f32
    %broadcast_in_dim3A_35 = vector.broadcast %jit3A_34 : f32 to vector<480x640xf32>
    %select_n3A_36 = arith.select %and3A, %sub3A_33, %broadcast_in_dim3A_35 : vector<480x640xi1>, vector<480x640xf32>
    %reduce_max3A = vector.shape_cast %select_n3A_36 : vector<480x640xf32> to vector<1x480x640xf32>
    %reduce_max3A_37 = arith.constant dense<0xFF800000> : vector<1xf32>
    %reduce_max3A_38 = vector.multi_reduction <maximumf>, %reduce_max3A, %reduce_max3A_37 [1, 2] : vector<1x480x640xf32> to vector<1xf32>
    %reduce_max3A_39 = vector.shape_cast %reduce_max3A_38 : vector<1xf32> to vector<1x1x1xf32>
    %reduce_max3A_40 = vector.extract %reduce_max3A_39[0, 0, 0] : f32 from vector<1x1x1xf32>
    %gt3A = arith.constant 0.000000e+00 : f32
    %gt3A_41 = arith.cmpf ogt, %reduce_max3A_40, %gt3A : f32
    %is_finite3A_42 = tpu.weird %reduce_max3A_40 : f32 -> i1
    %is_finite3A_43 = arith.constant true
    %is_finite3A_44 = arith.xori %is_finite3A_42, %is_finite3A_43 : i1
    %and3A_45 = arith.andi %gt3A_41, %is_finite3A_44 : i1
    %jit3A_46 = arith.constant 1.000000e+00 : f32
    %select_n3A_47 = arith.select %and3A_45, %reduce_max3A_40, %jit3A_46 : f32
    %jit3A_48 = arith.constant 0x7F800000 : f32
    %broadcast_in_dim3A_49 = vector.broadcast %jit3A_48 : f32 to vector<480x640xf32>
    %select_n3A_50 = arith.select %and3A, %select_n3A_21, %broadcast_in_dim3A_49 : vector<480x640xi1>, vector<480x640xf32>
    %reduce_min3A_51 = vector.shape_cast %select_n3A_50 : vector<480x640xf32> to vector<1x480x640xf32>
    %reduce_min3A_52 = arith.constant dense<0x7F800000> : vector<1xf32>
    %reduce_min3A_53 = vector.multi_reduction <minimumf>, %reduce_min3A_51, %reduce_min3A_52 [1, 2] : vector<1x480x640xf32> to vector<1xf32>
    %reduce_min3A_54 = vector.shape_cast %reduce_min3A_53 : vector<1xf32> to vector<1x1x1xf32>
    %reduce_min3A_55 = vector.extract %reduce_min3A_54[0, 0, 0] : f32 from vector<1x1x1xf32>
    %is_finite3A_56 = tpu.weird %reduce_min3A_55 : f32 -> i1
    %is_finite3A_57 = arith.constant true
    %is_finite3A_58 = arith.xori %is_finite3A_56, %is_finite3A_57 : i1
    %jit3A_59 = arith.constant 0.000000e+00 : f32
    %select_n3A_60 = arith.select %is_finite3A_58, %reduce_min3A_55, %jit3A_59 : f32
    %sub3A_61 = vector.broadcast %select_n3A_60 : f32 to vector<480x640xf32>
    %sub3A_62 = arith.subf %select_n3A_21, %sub3A_61 : vector<480x640xf32>
    %jit3A_63 = arith.constant 0xFF800000 : f32
    %broadcast_in_dim3A_64 = vector.broadcast %jit3A_63 : f32 to vector<480x640xf32>
    %select_n3A_65 = arith.select %and3A, %sub3A_62, %broadcast_in_dim3A_64 : vector<480x640xi1>, vector<480x640xf32>
    %reduce_max3A_66 = vector.shape_cast %select_n3A_65 : vector<480x640xf32> to vector<1x480x640xf32>
    %reduce_max3A_67 = arith.constant dense<0xFF800000> : vector<1xf32>
    %reduce_max3A_68 = vector.multi_reduction <maximumf>, %reduce_max3A_66, %reduce_max3A_67 [1, 2] : vector<1x480x640xf32> to vector<1xf32>
    %reduce_max3A_69 = vector.shape_cast %reduce_max3A_68 : vector<1xf32> to vector<1x1x1xf32>
    %reduce_max3A_70 = vector.extract %reduce_max3A_69[0, 0, 0] : f32 from vector<1x1x1xf32>
    %gt3A_71 = arith.constant 0.000000e+00 : f32
    %gt3A_72 = arith.cmpf ogt, %reduce_max3A_70, %gt3A_71 : f32
    %is_finite3A_73 = tpu.weird %reduce_max3A_70 : f32 -> i1
    %is_finite3A_74 = arith.constant true
    %is_finite3A_75 = arith.xori %is_finite3A_73, %is_finite3A_74 : i1
    %and3A_76 = arith.andi %gt3A_72, %is_finite3A_75 : i1
    %jit3A_77 = arith.constant 1.000000e+00 : f32
    %select_n3A_78 = arith.select %and3A_76, %reduce_max3A_70, %jit3A_77 : f32
    %div3A = vector.broadcast %select_n3A_47 : f32 to vector<480x640xf32>
    %div3A_79 = arith.divf %sub3A_33, %div3A : vector<480x640xf32>
    %div3A_80 = vector.broadcast %select_n3A_78 : f32 to vector<480x640xf32>
    %div3A_81 = arith.divf %sub3A_62, %div3A_80 : vector<480x640xf32>
    %sub3A_82 = arith.subf %div3A_79, %div3A_81 : vector<480x640xf32>
    %abs3A = math.absf %sub3A_82 : vector<480x640xf32>
    %jit3A_83 = arith.constant 0.000000e+00 : f32
    %broadcast_in_dim3A_84 = vector.broadcast %jit3A_83 : f32 to vector<480x640xf32>
    %select_n3A_85 = arith.select %and3A, %abs3A, %broadcast_in_dim3A_84 : vector<480x640xi1>, vector<480x640xf32>
    %reduce_sum3A_86 = vector.shape_cast %select_n3A_85 : vector<480x640xf32> to vector<1x480x640xf32>
    %reduce_sum3A_87 = arith.constant dense<0.000000e+00> : vector<1xf32>
    %reduce_sum3A_88 = vector.multi_reduction <add>, %reduce_sum3A_86, %reduce_sum3A_87 [1, 2] : vector<1x480x640xf32> to vector<1xf32>
    %reduce_sum3A_89 = vector.shape_cast %reduce_sum3A_88 : vector<1xf32> to vector<1x1x1xf32>
    %reduce_sum3A_90 = vector.extract %reduce_sum3A_89[0, 0, 0] : f32 from vector<1x1x1xf32>
    %max3A = arith.constant 1.000000e+00 : f32
    %max3A_91 = arith.maximumf %reduce_sum3A_18, %max3A : f32
    %div3A_92 = arith.divf %reduce_sum3A_90, %max3A_91 : f32
    %gt3A_93 = arith.constant 0.000000e+00 : f32
    %gt3A_94 = arith.cmpf ogt, %reduce_sum3A_18, %gt3A_93 : f32
    %jit3A_95 = arith.constant 0.000000e+00 : f32
    %select_n3A_96 = arith.select %gt3A_94, %div3A_92, %jit3A_95 : f32
    %div3A_97 = arith.constant 3.000000e+00 : f32
    %div3A_98 = arith.divf %select_n3A_96, %div3A_97 : f32
    %add3A = arith.constant 0.000000e+00 : f32
    %add3A_99 = arith.addf %add3A, %div3A_98 : f32
    %jit3A_100 = arith.constant 0.000000e+00 : f32
    %broadcast_in_dim3A_101 = vector.broadcast %jit3A_100 : f32 to vector<480x640xf32>
    %select_n3A_102 = arith.select %ne3A_10, %get3A_3, %broadcast_in_dim3A_101 : vector<480x640xi1>, vector<480x640xf32>
    %swap3A = arith.constant 0 : index
    %swap3A_103 = arith.constant 0 : index
    %swap3A_104 = arith.constant 0 : index
    %swap3A_105 = vector.load %arg3[%swap3A, %swap3A_103, %swap3A_104] : memref<3x480x640xf32, #tpu.memory_space<vmem>>, vector<1x480x640xf32>
    %swap3A_106 = vector.shape_cast %swap3A_105 : vector<1x480x640xf32> to vector<480x640xf32>
    %swap3A_107 = vector.shape_cast %select_n3A_102 : vector<480x640xf32> to vector<1x480x640xf32>
    tpu.vector_store %arg3[%swap3A, %swap3A_103, %swap3A_104], %swap3A_107 {strides = array<i32>} : memref<3x480x640xf32, #tpu.memory_space<vmem>>, vector<1x480x640xf32>,
    %get3A_108 = arith.constant 1 : index
    %get3A_109 = arith.constant 0 : index
    %get3A_110 = arith.constant 0 : index
    %get3A_111 = vector.load %arg0[%get3A_108, %get3A_109, %get3A_110] : memref<3x480x640xf32, #tpu.memory_space<vmem>>, vector<1x480x640xf32>
    %get3A_112 = vector.shape_cast %get3A_111 : vector<1x480x640xf32> to vector<480x640xf32>
    %get3A_113 = arith.constant 1 : index
    %get3A_114 = arith.constant 0 : index
    %get3A_115 = arith.constant 0 : index
    %get3A_116 = vector.load %arg1[%get3A_113, %get3A_114, %get3A_115] : memref<3x480x640xf32, #tpu.memory_space<vmem>>, vector<1x480x640xf32>
    %get3A_117 = vector.shape_cast %get3A_116 : vector<1x480x640xf32> to vector<480x640xf32>
    %ne3A_118 = arith.constant 0x7F800000 : f32
    %ne3A_119 = vector.broadcast %ne3A_118 : f32 to vector<480x640xf32>
    %ne3A_120 = arith.cmpf one, %get3A_112, %ne3A_119 : vector<480x640xf32>
    %ne3A_121 = arith.constant 0.000000e+00 : f32
    %ne3A_122 = vector.broadcast %ne3A_121 : f32 to vector<480x640xf32>
    %ne3A_123 = arith.cmpf one, %get3A_117, %ne3A_122 : vector<480x640xf32>
    %and3A_124 = arith.andi %ne3A_120, %ne3A_123 : vector<480x640xi1>
    %convert_element_type3A_125 = arith.extui %and3A_124 : vector<480x640xi1> to vector<480x640xi32>
    %convert_element_type3A_126 = arith.sitofp %convert_element_type3A_125 : vector<480x640xi32> to vector<480x640xf32>
    %reduce_sum3A_127 = vector.shape_cast %convert_element_type3A_126 : vector<480x640xf32> to vector<1x480x640xf32>
    %reduce_sum3A_128 = arith.constant dense<0.000000e+00> : vector<1xf32>
    %reduce_sum3A_129 = vector.multi_reduction <add>, %reduce_sum3A_127, %reduce_sum3A_128 [1, 2] : vector<1x480x640xf32> to vector<1xf32>
    %reduce_sum3A_130 = vector.shape_cast %reduce_sum3A_129 : vector<1xf32> to vector<1x1x1xf32>
    %reduce_sum3A_131 = vector.extract %reduce_sum3A_130[0, 0, 0] : f32 from vector<1x1x1xf32>
    %jit3A_132 = arith.constant 0.000000e+00 : f32
    %broadcast_in_dim3A_133 = vector.broadcast %jit3A_132 : f32 to vector<480x640xf32>
    %select_n3A_134 = arith.select %and3A_124, %get3A_112, %broadcast_in_dim3A_133 : vector<480x640xi1>, vector<480x640xf32>
    %jit3A_135 = arith.constant 0.000000e+00 : f32
    %broadcast_in_dim3A_136 = vector.broadcast %jit3A_135 : f32 to vector<480x640xf32>
    %select_n3A_137 = arith.select %and3A_124, %get3A_117, %broadcast_in_dim3A_136 : vector<480x640xi1>, vector<480x640xf32>
    %jit3A_138 = arith.constant 0x7F800000 : f32
    %broadcast_in_dim3A_139 = vector.broadcast %jit3A_138 : f32 to vector<480x640xf32>
    %select_n3A_140 = arith.select %and3A_124, %select_n3A_134, %broadcast_in_dim3A_139 : vector<480x640xi1>, vector<480x640xf32>
    %reduce_min3A_141 = vector.shape_cast %select_n3A_140 : vector<480x640xf32> to vector<1x480x640xf32>
    %reduce_min3A_142 = arith.constant dense<0x7F800000> : vector<1xf32>
    %reduce_min3A_143 = vector.multi_reduction <minimumf>, %reduce_min3A_141, %reduce_min3A_142 [1, 2] : vector<1x480x640xf32> to vector<1xf32>
    %reduce_min3A_144 = vector.shape_cast %reduce_min3A_143 : vector<1xf32> to vector<1x1x1xf32>
    %reduce_min3A_145 = vector.extract %reduce_min3A_144[0, 0, 0] : f32 from vector<1x1x1xf32>
    %is_finite3A_146 = tpu.weird %reduce_min3A_145 : f32 -> i1
    %is_finite3A_147 = arith.constant true
    %is_finite3A_148 = arith.xori %is_finite3A_146, %is_finite3A_147 : i1
    %jit3A_149 = arith.constant 0.000000e+00 : f32
    %select_n3A_150 = arith.select %is_finite3A_148, %reduce_min3A_145, %jit3A_149 : f32
    %sub3A_151 = vector.broadcast %select_n3A_150 : f32 to vector<480x640xf32>
    %sub3A_152 = arith.subf %select_n3A_134, %sub3A_151 : vector<480x640xf32>
    %jit3A_153 = arith.constant 0xFF800000 : f32
    %broadcast_in_dim3A_154 = vector.broadcast %jit3A_153 : f32 to vector<480x640xf32>
    %select_n3A_155 = arith.select %and3A_124, %sub3A_152, %broadcast_in_dim3A_154 : vector<480x640xi1>, vector<480x640xf32>
    %reduce_max3A_156 = vector.shape_cast %select_n3A_155 : vector<480x640xf32> to vector<1x480x640xf32>
    %reduce_max3A_157 = arith.constant dense<0xFF800000> : vector<1xf32>
    %reduce_max3A_158 = vector.multi_reduction <maximumf>, %reduce_max3A_156, %reduce_max3A_157 [1, 2] : vector<1x480x640xf32> to vector<1xf32>
    %reduce_max3A_159 = vector.shape_cast %reduce_max3A_158 : vector<1xf32> to vector<1x1x1xf32>
    %reduce_max3A_160 = vector.extract %reduce_max3A_159[0, 0, 0] : f32 from vector<1x1x1xf32>
    %gt3A_161 = arith.constant 0.000000e+00 : f32
    %gt3A_162 = arith.cmpf ogt, %reduce_max3A_160, %gt3A_161 : f32
    %is_finite3A_163 = tpu.weird %reduce_max3A_160 : f32 -> i1
    %is_finite3A_164 = arith.constant true
    %is_finite3A_165 = arith.xori %is_finite3A_163, %is_finite3A_164 : i1
    %and3A_166 = arith.andi %gt3A_162, %is_finite3A_165 : i1
    %jit3A_167 = arith.constant 1.000000e+00 : f32
    %select_n3A_168 = arith.select %and3A_166, %reduce_max3A_160, %jit3A_167 : f32
    %jit3A_169 = arith.constant 0x7F800000 : f32
    %broadcast_in_dim3A_170 = vector.broadcast %jit3A_169 : f32 to vector<480x640xf32>
    %select_n3A_171 = arith.select %and3A_124, %select_n3A_137, %broadcast_in_dim3A_170 : vector<480x640xi1>, vector<480x640xf32>
    %reduce_min3A_172 = vector.shape_cast %select_n3A_171 : vector<480x640xf32> to vector<1x480x640xf32>
    %reduce_min3A_173 = arith.constant dense<0x7F800000> : vector<1xf32>
    %reduce_min3A_174 = vector.multi_reduction <minimumf>, %reduce_min3A_172, %reduce_min3A_173 [1, 2] : vector<1x480x640xf32> to vector<1xf32>
    %reduce_min3A_175 = vector.shape_cast %reduce_min3A_174 : vector<1xf32> to vector<1x1x1xf32>
    %reduce_min3A_176 = vector.extract %reduce_min3A_175[0, 0, 0] : f32 from vector<1x1x1xf32>
    %is_finite3A_177 = tpu.weird %reduce_min3A_176 : f32 -> i1
    %is_finite3A_178 = arith.constant true
    %is_finite3A_179 = arith.xori %is_finite3A_177, %is_finite3A_178 : i1
    %jit3A_180 = arith.constant 0.000000e+00 : f32
    %select_n3A_181 = arith.select %is_finite3A_179, %reduce_min3A_176, %jit3A_180 : f32
    %sub3A_182 = vector.broadcast %select_n3A_181 : f32 to vector<480x640xf32>
    %sub3A_183 = arith.subf %select_n3A_137, %sub3A_182 : vector<480x640xf32>
    %jit3A_184 = arith.constant 0xFF800000 : f32
    %broadcast_in_dim3A_185 = vector.broadcast %jit3A_184 : f32 to vector<480x640xf32>
    %select_n3A_186 = arith.select %and3A_124, %sub3A_183, %broadcast_in_dim3A_185 : vector<480x640xi1>, vector<480x640xf32>
    %reduce_max3A_187 = vector.shape_cast %select_n3A_186 : vector<480x640xf32> to vector<1x480x640xf32>
    %reduce_max3A_188 = arith.constant dense<0xFF800000> : vector<1xf32>
    %reduce_max3A_189 = vector.multi_reduction <maximumf>, %reduce_max3A_187, %reduce_max3A_188 [1, 2] : vector<1x480x640xf32> to vector<1xf32>
    %reduce_max3A_190 = vector.shape_cast %reduce_max3A_189 : vector<1xf32> to vector<1x1x1xf32>
    %reduce_max3A_191 = vector.extract %reduce_max3A_190[0, 0, 0] : f32 from vector<1x1x1xf32>
    %gt3A_192 = arith.constant 0.000000e+00 : f32
    %gt3A_193 = arith.cmpf ogt, %reduce_max3A_191, %gt3A_192 : f32
    %is_finite3A_194 = tpu.weird %reduce_max3A_191 : f32 -> i1
    %is_finite3A_195 = arith.constant true
    %is_finite3A_196 = arith.xori %is_finite3A_194, %is_finite3A_195 : i1
    %and3A_197 = arith.andi %gt3A_193, %is_finite3A_196 : i1
    %jit3A_198 = arith.constant 1.000000e+00 : f32
    %select_n3A_199 = arith.select %and3A_197, %reduce_max3A_191, %jit3A_198 : f32
    %div3A_200 = vector.broadcast %select_n3A_168 : f32 to vector<480x640xf32>
    %div3A_201 = arith.divf %sub3A_152, %div3A_200 : vector<480x640xf32>
    %div3A_202 = vector.broadcast %select_n3A_199 : f32 to vector<480x640xf32>
    %div3A_203 = arith.divf %sub3A_183, %div3A_202 : vector<480x640xf32>
    %sub3A_204 = arith.subf %div3A_201, %div3A_203 : vector<480x640xf32>
    %abs3A_205 = math.absf %sub3A_204 : vector<480x640xf32>
    %jit3A_206 = arith.constant 0.000000e+00 : f32
    %broadcast_in_dim3A_207 = vector.broadcast %jit3A_206 : f32 to vector<480x640xf32>
    %select_n3A_208 = arith.select %and3A_124, %abs3A_205, %broadcast_in_dim3A_207 : vector<480x640xi1>, vector<480x640xf32>
    %reduce_sum3A_209 = vector.shape_cast %select_n3A_208 : vector<480x640xf32> to vector<1x480x640xf32>
    %reduce_sum3A_210 = arith.constant dense<0.000000e+00> : vector<1xf32>
    %reduce_sum3A_211 = vector.multi_reduction <add>, %reduce_sum3A_209, %reduce_sum3A_210 [1, 2] : vector<1x480x640xf32> to vector<1xf32>
    %reduce_sum3A_212 = vector.shape_cast %reduce_sum3A_211 : vector<1xf32> to vector<1x1x1xf32>
    %reduce_sum3A_213 = vector.extract %reduce_sum3A_212[0, 0, 0] : f32 from vector<1x1x1xf32>
    %max3A_214 = arith.constant 1.000000e+00 : f32
    %max3A_215 = arith.maximumf %reduce_sum3A_131, %max3A_214 : f32
    %div3A_216 = arith.divf %reduce_sum3A_213, %max3A_215 : f32
    %gt3A_217 = arith.constant 0.000000e+00 : f32
    %gt3A_218 = arith.cmpf ogt, %reduce_sum3A_131, %gt3A_217 : f32
    %jit3A_219 = arith.constant 0.000000e+00 : f32
    %select_n3A_220 = arith.select %gt3A_218, %div3A_216, %jit3A_219 : f32
    %div3A_221 = arith.constant 3.000000e+00 : f32
    %div3A_222 = arith.divf %select_n3A_220, %div3A_221 : f32
    %add3A_223 = arith.addf %add3A_99, %div3A_222 : f32
    %jit3A_224 = arith.constant 0.000000e+00 : f32
    %broadcast_in_dim3A_225 = vector.broadcast %jit3A_224 : f32 to vector<480x640xf32>
    %select_n3A_226 = arith.select %ne3A_120, %get3A_112, %broadcast_in_dim3A_225 : vector<480x640xi1>, vector<480x640xf32>
    %swap3A_227 = arith.constant 1 : index
    %swap3A_228 = arith.constant 0 : index
    %swap3A_229 = arith.constant 0 : index
    %swap3A_230 = vector.load %arg3[%swap3A_227, %swap3A_228, %swap3A_229] : memref<3x480x640xf32, #tpu.memory_space<vmem>>, vector<1x480x640xf32>
    %swap3A_231 = vector.shape_cast %swap3A_230 : vector<1x480x640xf32> to vector<480x640xf32>
    %swap3A_232 = vector.shape_cast %select_n3A_226 : vector<480x640xf32> to vector<1x480x640xf32>
    tpu.vector_store %arg3[%swap3A_227, %swap3A_228, %swap3A_229], %swap3A_232 {strides = array<i32>} : memref<3x480x640xf32, #tpu.memory_space<vmem>>, vector<1x480x640xf32>,
    %get3A_233 = arith.constant 2 : index
    %get3A_234 = arith.constant 0 : index
    %get3A_235 = arith.constant 0 : index
    %get3A_236 = vector.load %arg0[%get3A_233, %get3A_234, %get3A_235] : memref<3x480x640xf32, #tpu.memory_space<vmem>>, vector<1x480x640xf32>
    %get3A_237 = vector.shape_cast %get3A_236 : vector<1x480x640xf32> to vector<480x640xf32>
    %get3A_238 = arith.constant 2 : index
    %get3A_239 = arith.constant 0 : index
    %get3A_240 = arith.constant 0 : index
    %get3A_241 = vector.load %arg1[%get3A_238, %get3A_239, %get3A_240] : memref<3x480x640xf32, #tpu.memory_space<vmem>>, vector<1x480x640xf32>
    %get3A_242 = vector.shape_cast %get3A_241 : vector<1x480x640xf32> to vector<480x640xf32>
    %ne3A_243 = arith.constant 0x7F800000 : f32
    %ne3A_244 = vector.broadcast %ne3A_243 : f32 to vector<480x640xf32>
    %ne3A_245 = arith.cmpf one, %get3A_237, %ne3A_244 : vector<480x640xf32>
    %ne3A_246 = arith.constant 0.000000e+00 : f32
    %ne3A_247 = vector.broadcast %ne3A_246 : f32 to vector<480x640xf32>
    %ne3A_248 = arith.cmpf one, %get3A_242, %ne3A_247 : vector<480x640xf32>
    %and3A_249 = arith.andi %ne3A_245, %ne3A_248 : vector<480x640xi1>
    %convert_element_type3A_250 = arith.extui %and3A_249 : vector<480x640xi1> to vector<480x640xi32>
    %convert_element_type3A_251 = arith.sitofp %convert_element_type3A_250 : vector<480x640xi32> to vector<480x640xf32>
    %reduce_sum3A_252 = vector.shape_cast %convert_element_type3A_251 : vector<480x640xf32> to vector<1x480x640xf32>
    %reduce_sum3A_253 = arith.constant dense<0.000000e+00> : vector<1xf32>
    %reduce_sum3A_254 = vector.multi_reduction <add>, %reduce_sum3A_252, %reduce_sum3A_253 [1, 2] : vector<1x480x640xf32> to vector<1xf32>
    %reduce_sum3A_255 = vector.shape_cast %reduce_sum3A_254 : vector<1xf32> to vector<1x1x1xf32>
    %reduce_sum3A_256 = vector.extract %reduce_sum3A_255[0, 0, 0] : f32 from vector<1x1x1xf32>
    %jit3A_257 = arith.constant 0.000000e+00 : f32
    %broadcast_in_dim3A_258 = vector.broadcast %jit3A_257 : f32 to vector<480x640xf32>
    %select_n3A_259 = arith.select %and3A_249, %get3A_237, %broadcast_in_dim3A_258 : vector<480x640xi1>, vector<480x640xf32>
    %jit3A_260 = arith.constant 0.000000e+00 : f32
    %broadcast_in_dim3A_261 = vector.broadcast %jit3A_260 : f32 to vector<480x640xf32>
    %select_n3A_262 = arith.select %and3A_249, %get3A_242, %broadcast_in_dim3A_261 : vector<480x640xi1>, vector<480x640xf32>
    %jit3A_263 = arith.constant 0x7F800000 : f32
    %broadcast_in_dim3A_264 = vector.broadcast %jit3A_263 : f32 to vector<480x640xf32>
    %select_n3A_265 = arith.select %and3A_249, %select_n3A_259, %broadcast_in_dim3A_264 : vector<480x640xi1>, vector<480x640xf32>
    %reduce_min3A_266 = vector.shape_cast %select_n3A_265 : vector<480x640xf32> to vector<1x480x640xf32>
    %reduce_min3A_267 = arith.constant dense<0x7F800000> : vector<1xf32>
    %reduce_min3A_268 = vector.multi_reduction <minimumf>, %reduce_min3A_266, %reduce_min3A_267 [1, 2] : vector<1x480x640xf32> to vector<1xf32>
    %reduce_min3A_269 = vector.shape_cast %reduce_min3A_268 : vector<1xf32> to vector<1x1x1xf32>
    %reduce_min3A_270 = vector.extract %reduce_min3A_269[0, 0, 0] : f32 from vector<1x1x1xf32>
    %is_finite3A_271 = tpu.weird %reduce_min3A_270 : f32 -> i1
    %is_finite3A_272 = arith.constant true
    %is_finite3A_273 = arith.xori %is_finite3A_271, %is_finite3A_272 : i1
    %jit3A_274 = arith.constant 0.000000e+00 : f32
    %select_n3A_275 = arith.select %is_finite3A_273, %reduce_min3A_270, %jit3A_274 : f32
    %sub3A_276 = vector.broadcast %select_n3A_275 : f32 to vector<480x640xf32>
    %sub3A_277 = arith.subf %select_n3A_259, %sub3A_276 : vector<480x640xf32>
    %jit3A_278 = arith.constant 0xFF800000 : f32
    %broadcast_in_dim3A_279 = vector.broadcast %jit3A_278 : f32 to vector<480x640xf32>
    %select_n3A_280 = arith.select %and3A_249, %sub3A_277, %broadcast_in_dim3A_279 : vector<480x640xi1>, vector<480x640xf32>
    %reduce_max3A_281 = vector.shape_cast %select_n3A_280 : vector<480x640xf32> to vector<1x480x640xf32>
    %reduce_max3A_282 = arith.constant dense<0xFF800000> : vector<1xf32>
    %reduce_max3A_283 = vector.multi_reduction <maximumf>, %reduce_max3A_281, %reduce_max3A_282 [1, 2] : vector<1x480x640xf32> to vector<1xf32>
    %reduce_max3A_284 = vector.shape_cast %reduce_max3A_283 : vector<1xf32> to vector<1x1x1xf32>
    %reduce_max3A_285 = vector.extract %reduce_max3A_284[0, 0, 0] : f32 from vector<1x1x1xf32>
    %gt3A_286 = arith.constant 0.000000e+00 : f32
    %gt3A_287 = arith.cmpf ogt, %reduce_max3A_285, %gt3A_286 : f32
    %is_finite3A_288 = tpu.weird %reduce_max3A_285 : f32 -> i1
    %is_finite3A_289 = arith.constant true
    %is_finite3A_290 = arith.xori %is_finite3A_288, %is_finite3A_289 : i1
    %and3A_291 = arith.andi %gt3A_287, %is_finite3A_290 : i1
    %jit3A_292 = arith.constant 1.000000e+00 : f32
    %select_n3A_293 = arith.select %and3A_291, %reduce_max3A_285, %jit3A_292 : f32
    %jit3A_294 = arith.constant 0x7F800000 : f32
    %broadcast_in_dim3A_295 = vector.broadcast %jit3A_294 : f32 to vector<480x640xf32>
    %select_n3A_296 = arith.select %and3A_249, %select_n3A_262, %broadcast_in_dim3A_295 : vector<480x640xi1>, vector<480x640xf32>
    %reduce_min3A_297 = vector.shape_cast %select_n3A_296 : vector<480x640xf32> to vector<1x480x640xf32>
    %reduce_min3A_298 = arith.constant dense<0x7F800000> : vector<1xf32>
    %reduce_min3A_299 = vector.multi_reduction <minimumf>, %reduce_min3A_297, %reduce_min3A_298 [1, 2] : vector<1x480x640xf32> to vector<1xf32>
    %reduce_min3A_300 = vector.shape_cast %reduce_min3A_299 : vector<1xf32> to vector<1x1x1xf32>
    %reduce_min3A_301 = vector.extract %reduce_min3A_300[0, 0, 0] : f32 from vector<1x1x1xf32>
    %is_finite3A_302 = tpu.weird %reduce_min3A_301 : f32 -> i1
    %is_finite3A_303 = arith.constant true
    %is_finite3A_304 = arith.xori %is_finite3A_302, %is_finite3A_303 : i1
    %jit3A_305 = arith.constant 0.000000e+00 : f32
    %select_n3A_306 = arith.select %is_finite3A_304, %reduce_min3A_301, %jit3A_305 : f32
    %sub3A_307 = vector.broadcast %select_n3A_306 : f32 to vector<480x640xf32>
    %sub3A_308 = arith.subf %select_n3A_262, %sub3A_307 : vector<480x640xf32>
    %jit3A_309 = arith.constant 0xFF800000 : f32
    %broadcast_in_dim3A_310 = vector.broadcast %jit3A_309 : f32 to vector<480x640xf32>
    %select_n3A_311 = arith.select %and3A_249, %sub3A_308, %broadcast_in_dim3A_310 : vector<480x640xi1>, vector<480x640xf32>
    %reduce_max3A_312 = vector.shape_cast %select_n3A_311 : vector<480x640xf32> to vector<1x480x640xf32>
    %reduce_max3A_313 = arith.constant dense<0xFF800000> : vector<1xf32>
    %reduce_max3A_314 = vector.multi_reduction <maximumf>, %reduce_max3A_312, %reduce_max3A_313 [1, 2] : vector<1x480x640xf32> to vector<1xf32>
    %reduce_max3A_315 = vector.shape_cast %reduce_max3A_314 : vector<1xf32> to vector<1x1x1xf32>
    %reduce_max3A_316 = vector.extract %reduce_max3A_315[0, 0, 0] : f32 from vector<1x1x1xf32>
    %gt3A_317 = arith.constant 0.000000e+00 : f32
    %gt3A_318 = arith.cmpf ogt, %reduce_max3A_316, %gt3A_317 : f32
    %is_finite3A_319 = tpu.weird %reduce_max3A_316 : f32 -> i1
    %is_finite3A_320 = arith.constant true
    %is_finite3A_321 = arith.xori %is_finite3A_319, %is_finite3A_320 : i1
    %and3A_322 = arith.andi %gt3A_318, %is_finite3A_321 : i1
    %jit3A_323 = arith.constant 1.000000e+00 : f32
    %select_n3A_324 = arith.select %and3A_322, %reduce_max3A_316, %jit3A_323 : f32
    %div3A_325 = vector.broadcast %select_n3A_293 : f32 to vector<480x640xf32>
    %div3A_326 = arith.divf %sub3A_277, %div3A_325 : vector<480x640xf32>
    %div3A_327 = vector.broadcast %select_n3A_324 : f32 to vector<480x640xf32>
    %div3A_328 = arith.divf %sub3A_308, %div3A_327 : vector<480x640xf32>
    %sub3A_329 = arith.subf %div3A_326, %div3A_328 : vector<480x640xf32>
    %abs3A_330 = math.absf %sub3A_329 : vector<480x640xf32>
    %jit3A_331 = arith.constant 0.000000e+00 : f32
    %broadcast_in_dim3A_332 = vector.broadcast %jit3A_331 : f32 to vector<480x640xf32>
    %select_n3A_333 = arith.select %and3A_249, %abs3A_330, %broadcast_in_dim3A_332 : vector<480x640xi1>, vector<480x640xf32>
    %reduce_sum3A_334 = vector.shape_cast %select_n3A_333 : vector<480x640xf32> to vector<1x480x640xf32>
    %reduce_sum3A_335 = arith.constant dense<0.000000e+00> : vector<1xf32>
    %reduce_sum3A_336 = vector.multi_reduction <add>, %reduce_sum3A_334, %reduce_sum3A_335 [1, 2] : vector<1x480x640xf32> to vector<1xf32>
    %reduce_sum3A_337 = vector.shape_cast %reduce_sum3A_336 : vector<1xf32> to vector<1x1x1xf32>
    %reduce_sum3A_338 = vector.extract %reduce_sum3A_337[0, 0, 0] : f32 from vector<1x1x1xf32>
    %max3A_339 = arith.constant 1.000000e+00 : f32
    %max3A_340 = arith.maximumf %reduce_sum3A_256, %max3A_339 : f32
    %div3A_341 = arith.divf %reduce_sum3A_338, %max3A_340 : f32
    %gt3A_342 = arith.constant 0.000000e+00 : f32
    %gt3A_343 = arith.cmpf ogt, %reduce_sum3A_256, %gt3A_342 : f32
    %jit3A_344 = arith.constant 0.000000e+00 : f32
    %select_n3A_345 = arith.select %gt3A_343, %div3A_341, %jit3A_344 : f32
    %div3A_346 = arith.constant 3.000000e+00 : f32
    %div3A_347 = arith.divf %select_n3A_345, %div3A_346 : f32
    %add3A_348 = arith.addf %add3A_223, %div3A_347 : f32
    %jit3A_349 = arith.constant 0.000000e+00 : f32
    %broadcast_in_dim3A_350 = vector.broadcast %jit3A_349 : f32 to vector<480x640xf32>
    %select_n3A_351 = arith.select %ne3A_245, %get3A_237, %broadcast_in_dim3A_350 : vector<480x640xi1>, vector<480x640xf32>
    %swap3A_352 = arith.constant 2 : index
    %swap3A_353 = arith.constant 0 : index
    %swap3A_354 = arith.constant 0 : index
    %swap3A_355 = vector.load %arg3[%swap3A_352, %swap3A_353, %swap3A_354] : memref<3x480x640xf32, #tpu.memory_space<vmem>>, vector<1x480x640xf32>
    %swap3A_356 = vector.shape_cast %swap3A_355 : vector<1x480x640xf32> to vector<480x640xf32>
    %swap3A_357 = vector.shape_cast %select_n3A_351 : vector<480x640xf32> to vector<1x480x640xf32>
    tpu.vector_store %arg3[%swap3A_352, %swap3A_353, %swap3A_354], %swap3A_357 {strides = array<i32>} : memref<3x480x640xf32, #tpu.memory_space<vmem>>, vector<1x480x640xf32>,
    %swap3A_358 = arith.constant 0 : index
    %swap3A_359 = arith.constant 0 : index
    %swap3A_360 = memref.load %arg2[%swap3A_358, %swap3A_359] : memref<1x1xf32, #tpu.memory_space<smem>>
    memref.store %add3A_348, %arg2[%swap3A_358, %swap3A_359] : memref<1x1xf32, #tpu.memory_space<smem>>
    return
  }
}

</mosaic_0001>

<sc_bundles>
// kernel: kernel.4.cloned.1.call-start
scs
__scs_entry_jumppad:
0x0: {  	(pc) =	sbr.rel $0x88, $3  }
0x1: {  	(tag) =	ssettag $0x0;
	lr =	simm.s32 $0x1  }
0x2: {  	[smem:$0x3F9C] =	sst lr;
	_ =	strace $0xD0000000  }
0x3: {  	_ = 	snop  }
0x4: {  	_ = 	snop  }
0x5: {  	_ = 	snop  }
0x6: {  	_ = 	snop  }
0x7: {  	_ = 	snop  }
__scs_overlays_trampoline_lowered:
0x8: {  	[smem:$0x3FAB] =	sst s0  }
0x9: {  	[smem:$0x3FAC] =	sst s1  }
0xa: {  	[smem:$0x3FAD] =	sst s2  }
0xb: {  	[smem:$0x3FAE] =	sst s3  }
0xc: {  	[smem:$0x3FAF] =	sst s4  }
0xd: {  	[smem:$0x3FB0] =	sst s5  }
0xe: {  	[smem:$0x3FB1] =	sst s6  }
0xf: {  	[smem:$0x3FB2] =	sst s7  }
0x10: {  	[smem:$0x3FB3] =	sst s8  }
0x11: {  	[smem:$0x3FB4] =	sst s9;
	s0 =	simm.s32 @!p0 $0x0  }
0x12: {  	s1 =	sld [smem:$0x3F9A];
	s0 =	simm.s32 @p0 $0x1  }
0x13: {  	[smem:$0x3FB5] =	sst s0;
	s0 =	simm.s32 @!p1 $0x0  }
0x14: {  	s2 =	sld [smem:$0x3F99];
	s0 =	simm.s32 @p1 $0x1  }
0x15: {  	[smem:$0x3FB6] =	sst s0;
	s0 =	simm.s32 @!p2 $0x0  }
0x16: {  	s3 =	sld [smem:$0x3FDB];
	s0 =	simm.s32 @p2 $0x1  }
0x17: {  	s4 =	simm.s32 $0x1BF5;
	[smem:$0x3FB8] =	sst s0  }
0x18: {  	s0 =	sld [smem:$0x3F9B];
	_ =	swait.ge [sflag:s4], $0x0  }
0x19: {  	s7 =	sld [smem:$0x3F9C]  }
0x1a: {  	s8 =	sadd.s32 $0xFFFFE003, lr  }
0x1b: {  	s9 =	sadd.s32 $0xFFFFFEF7, lr;
	s5 =	simm.s32 $0xFFFFFFFF;
	p2 =	slt.u32 s8, $0xFFFFF086  }
0x1c: {  	p1 =	slt.u32 s9, $0xF7A;
	s5 =	simm.s32 @!p2 $0x0  }
0x1d: {  	s5 =	simm.s32 @p1 $0x1;
	p0 =	seq.s32 s7, s2  }
0x1e: {  	s7 =	smul.u32 @!p0 $0xF7A, s2;
	p2 =	seq.s32 @!p0 s5, $0x0  }
0x1f: {  	s9 =	smul.u32 $0xF7A, s1;
	s8 =	simm.s32 @!p0 $0x1BF5;
	p2 =	por !p2, p0  }
0x20: {  	[sflag:s8] =	ssyncset.s32 @!p0 $0xFFFFF086;
	s6 =	sadd.s32 @!p0 s3, s7;
	s7 =	simm.s32 @!p0 $0x108  }
0x21: {  	s3 =	sadd.s32 s3, s9;
	s6 =	sadd.s32 @!p0 $0x88, s6;
	s7 =	simm.s32 @p2 $0x1082  }
0x22: {  	[simem:s7], [sflag:s8] =	dma.local @!p0 [hbm:s6], $0xF7A  }
0x23: {  	s9 =	sor.u32 $0xD0000000, s2;
	s6 =	simm.s32 $0x108;
	_ =	swait.ge @!p0 [sflag:s8], $0x0  }
0x24: {  	s3 =	sadd.s32 $0x88, s3;
	s6 =	simm.s32 @!p1 $0x1082;
	[sflag:s4] =	ssyncset.s32 $0xFFFFF086  }
0x25: {  	[simem:s6], [sflag:s4] =	dma.local [hbm:s3], $0xF7A  }
0x26: {  	[smem:$0x3F9C] =	sst s1;
	(tag) =	ssettag s2;
	_ =	strace s9  }
0x27: {  	s1 =	sld [smem:$0x3FAC]  }
0x28: {  	s2 =	sld [smem:$0x3FAD]  }
0x29: {  	s4 =	sld [smem:$0x3FAF]  }
0x2a: {  	p0 =	seq.s32 s5, $0x0;
	s5 =	sld [smem:$0x3FB0]  }
0x2b: {  	s6 =	sld [smem:$0x3FB1]  }
0x2c: {  	s7 =	sld [smem:$0x3FB2]  }
0x2d: {  	s3 =	simm.s32 $0x108;
	s8 =	sld [smem:$0x3FB3]  }
0x2e: {  	s3 =	simm.s32 @!p0 $0x1082;
	s9 =	sld [smem:$0x3FB4]  }
0x2f: {  	lr =	sadd.s32 s0, s3;
	s0 =	sld [smem:$0x3FAB]  }
0x30: {  	s3 =	sld [smem:$0x3FAE]  }
0x31: {  	[smem:$0x3FB7] =	sst s10  }
0x32: {  	s10 =	sld [smem:$0x3FB5];
	_ =	sdelay $0x3  }
0x33: {  	p0 =	seq.s32 s10, $0x1;
	s10 =	sld [smem:$0x3FB7];
	_ =	sdelay $0x3  }
0x34: {  	[smem:$0x3FB7] =	sst s10  }
0x35: {  	s10 =	sld [smem:$0x3FB6];
	_ =	sdelay $0x3  }
0x36: {  	p1 =	seq.s32 s10, $0x1;
	s10 =	sld [smem:$0x3FB7];
	_ =	sdelay $0x3  }
0x37: {  	[smem:$0x3FB7] =	sst s10  }
0x38: {  	s10 =	sld [smem:$0x3FB8]  }
0x39: {  	_ = 	snop;
	(pc) =	sbr.ind lr, $3  }
0x3a: {  	_ = 	snop  }
0x3b: {  	_ = 	snop  }
0x3c: {  	p2 =	seq.s32 s10, $0x1;
	s10 =	sld [smem:$0x3FB7]  }
0x3d: {  	_ =	shalt  }
0x3e: {  	_ =	shalt  }
0x3f: {  	_ =	shalt  }
0x40: {  	_ =	shalt  }
0x41: {  	_ =	shalt  }
0x42: {  	_ =	shalt  }
0x43: {  	_ =	shalt  }
0x44: {  	_ =	shalt  }
0x45: {  	_ =	shalt  }
0x46: {  	_ =	shalt  }
0x47: {  	_ =	shalt  }
0x48: {  	_ =	shalt  }
0x49: {  	_ =	shalt  }
0x4a: {  	_ =	shalt  }
0x4b: {  	_ =	shalt  }
0x4c: {  	_ =	shalt  }
0x4d: {  	_ =	shalt  }
0x4e: {  	_ =	shalt  }
0x4f: {  	_ =	shalt  }
0x50: {  	_ =	shalt  }
0x51: {  	_ =	shalt  }
0x52: {  	_ =	shalt  }
0x53: {  	_ =	shalt  }
0x54: {  	_ =	shalt  }
0x55: {  	_ =	shalt  }
0x56: {  	_ =	shalt  }
0x57: {  	_ =	shalt  }
0x58: {  	_ =	shalt  }
0x59: {  	_ =	shalt  }
0x5a: {  	_ =	shalt  }
0x5b: {  	_ =	shalt  }
0x5c: {  	_ =	shalt  }
0x5d: {  	_ =	shalt  }
0x5e: {  	_ =	shalt  }
0x5f: {  	_ =	shalt  }
0x60: {  	_ =	shalt  }
0x61: {  	_ =	shalt  }
0x62: {  	_ =	shalt  }
0x63: {  	_ =	shalt  }
0x64: {  	_ =	shalt  }
0x65: {  	_ =	shalt  }
0x66: {  	_ =	shalt  }
0x67: {  	_ =	shalt  }
0x68: {  	_ =	shalt  }
0x69: {  	_ =	shalt  }
0x6a: {  	_ =	shalt  }
0x6b: {  	_ =	shalt  }
0x6c: {  	_ =	shalt  }
0x6d: {  	_ =	shalt  }
0x6e: {  	_ =	shalt  }
0x6f: {  	_ =	shalt  }
0x70: {  	_ =	shalt  }
0x71: {  	_ =	shalt  }
0x72: {  	_ =	shalt  }
0x73: {  	_ =	shalt  }
0x74: {  	_ =	shalt  }
0x75: {  	_ =	shalt  }
0x76: {  	_ =	shalt  }
0x77: {  	_ =	shalt  }
0x78: {  	_ =	shalt  }
0x79: {  	_ =	shalt  }
0x7a: {  	_ =	shalt  }
0x7b: {  	_ =	shalt  }
0x7c: {  	_ =	shalt  }
0x7d: {  	_ =	shalt  }
0x7e: {  	_ =	shalt  }
0x7f: {  	_ =	shalt  }
0x80: {  	_ =	shalt  }
0x81: {  	_ =	shalt  }
0x82: {  	_ =	shalt  }
0x83: {  	_ =	shalt  }
0x84: {  	_ =	shalt  }
0x85: {  	_ =	shalt  }
0x86: {  	_ =	shalt  }
0x87: {  	_ =	shalt  }
.Lfunc_end0:
.L_simem_size_0:
called_computation_lowered:
.L_overlay_start_0:
0x88: {  	s2 =	sld [smem:$0x3FD9]  }
0x89: {  	s3 =	sld [smem:$0x3FFE];
	_ =	sdelay $0x1  }
0x8a: {  	s1 =	srdreg.scid  }
0x8b: {  	s0 =	sand.u32 $0x1, s1  }
0x8c: {  	s14 =	sshll.u32 s0, $0xA;
	s2 =	sadd.s32 s3, s2  }
0x8d: {  	s2 =	sadd.s32 s2, s14  }
0x8e: {  	[smem:$0x3FC3] =	sst s2  }
0x8f: {  	_ = 	snop  }
0x90: {  	s2 =	sld [smem:$0x3FD0];
	_ =	sdelay $0x2  }
0x91: {  	s15 =	simm.s32 $0xA;
	s4 =	simm.s32 $0x10  }
0x92: {  	[smem:s4], [sflag:s15] =	dma.local [hbm:s2], $0x1  }
0x93: {  	_ =	swait.eq [sflag:s15], $0x1  }
0x94: {  	[sflag:s15] =	ssyncset.done $0x0  }
0x95: {  	s16 =	sld [smem:$0x11];
	[sflag:s15] =	ssyncadd.s32 $0xFFFFFFFF  }
0x96: {  	s17 =	sld [smem:$0x12];
	(tm) =	ssettm $0x1  }
0x97: {  	s18 =	sld [smem:$0x3FFB];
	_ =	sdelay $0x3  }
0x98: {  	_ =	strace s18  }
0x99: {  	s4 =	sld [smem:$0x3FFC];
	_ =	sdelay $0x3  }
0x9a: {  	_ =	strace s4  }
0x9b: {  	s4 =	sld [smem:$0x3FFD];
	_ =	sdelay $0x3  }
0x9c: {  	_ =	strace s4  }
0x9d: {  	_ =	strace $0x8FFFFFFF  }
0x9e: {  	s19 =	sld [smem:$0x3FDB];
	_ =	sdelay $0x1  }
0x9f: {  	s5 =	simm.s32 $_scs_section_size  }
0xa0: {  	s6 =	simm.s32 $_size__tile_overlayer_lowered;
	s7 =	simm.s32 $_tile_overlayer_lowered  }
0xa1: {  	s22 =	simm.s32 $0x1BFF;
	s21 =	sshll.u32 s7, $0x1;
	s4 =	sadd.s32 s5, s19  }
0xa2: {  	s8 =	simm.s32 $0x0;
	s20 =	sshll.u32 s6, $0x1;
	s6 =	sadd.s32 s21, s4  }
0xa3: {  	[timem:s8], [sflag:s22] =	dma.local [hbm:s6], s20  }
0xa4: {  	_ =	swait.ge [sflag:s22], s20  }
0xa5: {  	s5 =	ssub.s32 $0x0, s20;
	[sflag:s22] =	ssyncset.done $0x0  }
0xa6: {  	[sflag:s22] =	ssyncadd.s32 s5;
	_ =	sdelay $0x1  }
0xa7: {  	s23 =	simm.s32 $0x1B8B  }
0xa8: {  	_ =	swait.ge [sflag:s23], $0x1  }
0xa9: {  	[sflag:s23] =	ssyncset.done $0x0  }
0xaa: {  	s25 =	simm.s32 $0x1B8E;
	s24 =	sld [smem:$0x3FFE];
	[sflag:s23] =	ssyncadd.s32 $0xFFFFFFFF  }
0xab: {  	s26 =	simm.s32 $execute0_lowered;
	[smem:$0x3FD2] =	sst s25  }
0xac: {  	s6 =	sshll.u32 s26, $0x1;
	_ =	strace $0x80000046;
	[dreg:$0x1] =	wrdreg $0xFFFFFFFF  }
0xad: {  	s28 =	simm.s32 $_size_execute0_lowered;
	s4 =	sadd.s32 s4, s6;
	[dreg:$0x0] =	wrdreg $0x0  }
0xae: {  	s6 =	sshll.u32 s28, $0x1;
	[dreg:$0x2] =	wrdreg s4  }
0xaf: {  	[dreg:$0x3] =	wrdreg s6  }
0xb0: {  	[dreg:$0x4] =	wrdreg $0xC0  }
0xb1: {  	_ =	task [dreg:s8], $0x5FFFF  }
0xb2: {  	[dreg:$0x1] =	wrdreg $0xFFFFFFFF  }
0xb3: {  	[dreg:$0x0] =	wrdreg $0x60  }
0xb4: {  	[dreg:$0x2] =	wrdreg s16  }
0xb5: {  	[dreg:$0x3] =	wrdreg s24  }
0xb6: {  	[dreg:$0x4] =	wrdreg s17  }
0xb7: {  	[dreg:$0x5] =	wrdreg $0x12D000  }
0xb8: {  	[dreg:$0x6] =	wrdreg $0x17A800  }
0xb9: {  	[dreg:$0x7] =	wrdreg $0x9  }
0xba: {  	_ =	task.clear_ibuf [dreg:s8], $0x8FFFF;
	_ =	strace $0x90000046  }
0xbb: {  	s29 =	simm.s32 $0x9;
	_ =	strace $0x80000048  }
0xbc: {  	_ =	swait.ge [sflag:s29], $0x1  }
0xbd: {  	[sflag:s29] =	ssyncadd.s32 $0xFFFFFFFF  }
0xbe: {  	_ =	strace $0x90000048  }
0xbf: {  	_ =	sfence  }
0xc0: {  	s30 =	sld [smem:$0x0];
	_ =	sdelay $0x2  }
0xc1: {  	s31 =	sshll.u32 s1, $0xD;
	s1 =	sshrl.u32 s1, $0x2  }
0xc2: {  	s3 =	sand.u32 $0x4000, s31;
	s1 =	sadd.s32 s1, s30  }
0xc3: {  	s0 =	sor.u32 s3, s0;
	s1 =	sshll.u32 s1, $0x11  }
0xc4: {  	s0 =	sor.u32 s1, s0  }
0xc5: {  	s0 =	sadd.s32 $0x8F2B, s0  }
0xc6: {  	[sflag:s0] =	ssyncadd.remote.s32 $0x1  }
0xc7: {  	_ =	sfence.sel $0xFFFF  }
0xc8: {  	[dreg:$0x0] =	wrdreg $0xFFFFFFFF;
	(pc) =	sbr.abs _section_cstart, $3  }
0xc9: {  	[dreg:$0x1] =	wrdreg $0xFFFFFFFF  }
0xca: {  	_ =	task.clear_ibuf [dreg:s8], $0x2FFFF;
	_ =	strace $0x9FFFFFFF  }
0xcb: {  	(tm) =	ssettm $0x7FFFFFFF  }
tec
execute0_lowered:
.L_overlay_start_1:
0x0: {  	(tag) =	ssettag $0x1  }
0x1: {  	s0 =	rddreg [dreg:$0x0]  }
0x2: {  	s5 =	rddreg [dreg:$0x1]  }
0x3: {  	s7 =	rddreg [dreg:$0x2]  }
0x4: {  	s2 =	rddreg [dreg:$0x3]  }
0x5: {  	s1 =	srdreg.scid;
	s3 =	rddreg [dreg:$0x4]  }
0x6: {  	s12 =	stileid.u32;
	s4 =	simm.s32 $0x0;
	s11 =	simm.s32 $0x1  }
0x7: {  	s14 =	simm.s32 $0x0;
	s6 =	sand.u32 $0x1, s1;
	s1 =	rddreg [dreg:$0x5]  }
0x8: {  	[smem:$0x7FF] =	sst s4;
	s5 =	sadd.s32 $0xC00, s5;
	s8 =	smul.u32 $0xF, s6  }
0x9: {  	p0 =	sne.s32 s12, $0x0;
	p1 =	seq.s32 s12, $0xF;
	s6 =	ssub.s32 $0x2, s6  }
.Ltmp0:
0xa: {  	s31 =	sshrl.u32 s6, $0x1;
	s8 =	sadd.s32 s12, s8;
	(pc) =	sbr.rel .LBB2_1-.Ltmp0, $4  }
0xb: {  	_ =	strace $0x80000047;
	s10 =	smul.u32 $0x7800, s8;
	s8 =	ssub.s32 s6, s31  }
0xc: {  	s6 =	smul.u32 $0x4B00, s12;
	s12 =	simm.s32 $0x2;
	s8 =	smax.u32 s8, $0x1  }
0xd: {  	s9 =	sshrl.u32 s10, $0x3;
	s13 =	sadd.s32 $0x7800, s10;
	v0 =	vmov s10;
	s10 =	simm.s32 $0xF00  }
0xe: {  	v2 =	vimm.s32 $0x0;
	v3 =	vimm.f32 $+Inf;
	s7 =	sadd.s32 s7, s9;
	s9 =	simm.s32 $0x3;
	v1 =	vmov s13;
	s13 =	simm.s32 $0xB500  }
.LBB2_20:
0xf: {  	[hbm4b:s7+s4] =	stream.linear.scatter [tilespmem:s13], [sflag:$0x3], $0x7800, $0x38;
	[tilespmem:$0x1C800] =	vst v63  }
0x10: {  	_ =	swait.ge [sflag:s9], $0x7800  }
0x11: {  	[sflag:s9] =	ssyncset.done $0x0  }
0x12: {  	[sflag:s9] =	ssyncadd.s32 $0xFFFF8800  }
.LBB2_21:
0x13: {  	s14 =	sadd.s32 $0x1, s14  }
0x14: {  	p2 =	sne.s32 s14, s8  }
.Ltmp1:
0x15: {  	_ = 	snop;
	(pc) =	sbr.rel @!p2 .LBB2_22-.Ltmp1, $1  }
0x16: {  	_ =	sdelay $0x3  }
.LBB2_1:
0x17: {  	s15 =	simm.s32 @!p0 $0x0  }
0x18: {  	[smem:$0x0] =	sst @!p0 s15  }
0x19: {  	s17 =	simm.s32 $0x0;
	s15 =	simm.s32 $0x0;
	[bflag:$0x0] =	sbarrier.arrive $0xFFFF  }
.LBB2_2:
0x1a: {  	s16 =	smul.u32 $0xF00, s15;
	_ =	sdelay $0x1  }
0x1b: {  	s16 =	sadd.s32 s6, s16  }
0x1c: {  	s16 =	sshrl.u32 s16, $0x3  }
0x1d: {  	s18 =	sadd.s32 s0, s16  }
0x1e: {  	[tilespmem:s4], [sflag:$0x3] =	stream.linear.gather [hbm4b:s18+s4], $0xF00, $0x38;
	[tilespmem:$0x1C800] =	vst v63  }
0x1f: {  	_ =	swait.ge [sflag:s9], $0xF00  }
0x20: {  	[sflag:s9] =	ssyncset.done $0x0  }
0x21: {  	s16 =	sadd.s32 s5, s16;
	[sflag:s9] =	ssyncadd.s32 $0xFFFFF100  }
0x22: {  	[tilespmem:s10], [sflag:$0x3] =	stream.linear.gather [hbm4b:s16+s4], $0xF00, $0x38;
	[tilespmem:$0x1C800] =	vst v63  }
0x23: {  	_ =	swait.ge [sflag:s9], $0xF00  }
0x24: {  	[sflag:s9] =	ssyncset.done $0x0  }
0x25: {  	s30 =	simm.s32 $0xF40;
	[sflag:s9] =	ssyncadd.s32 $0xFFFFF100  }
0x26: {  	v17 =	vld [tilespmem:s30+$0x30]  }
0x27: {  	v15 =	vld [tilespmem:s30+$0x20]  }
0x28: {  	v14 =	vld [tilespmem:s30+$0x10]  }
0x29: {  	v13 =	vld [tilespmem:s30+$0x0]  }
0x2a: {  	v12 =	vld [tilespmem:s30+$0xFFFFFFF0]  }
0x2b: {  	v6 =	vld [tilespmem:s30+$0xFFFFFFE0]  }
0x2c: {  	v25 =	vld [tilespmem:s30+$0xFFFFFFC0]  }
0x2d: {  	v4 =	vld [tilespmem:s30+$0xFFFFFFD0]  }
0x2e: {  	v11 =	vimm.s32 $0x0;
	v19 =	vimm.s32 $0x0;
	vm2 =	vlt.f32 v15, $+Inf  }
0x2f: {  	vm0 =	vlt.f32 v17, $+Inf;
	vm5 =	vlt.f32 v14, $+Inf;
	vm6 =	vgt.f32 v14, $+Inf  }
0x30: {  	vm8 =	vlt.f32 v12, $+Inf;
	vm9 =	vlt.f32 v13, $+Inf;
	vm10 =	vgt.f32 v13, $+Inf  }
0x31: {  	vm3 =	vlt.f32 v25, $+Inf;
	vm4 =	vgt.f32 v25, $+Inf;
	vm11 =	vlt.f32 v6, $+Inf  }
0x32: {  	vm12 =	vgt.f32 v4, $+Inf;
	vm3 =	vmor vm4, vm3;
	vm4 =	vlt.f32 v4, $+Inf  }
0x33: {  	v5 =	vmpcnt.ones.xlane vm3;
	vm12 =	vmor vm12, vm4;
	vm4 =	vgt.f32 v6, $+Inf  }
0x34: {  	vm9 =	vmor vm10, vm9;
	v7 =	vmpcnt.ones.xlane vm12;
	vm4 =	vmor vm4, vm11  }
0x35: {  	vm11 =	vgt.f32 v12, $+Inf;
	v10 =	vmpcnt.ones.xlane vm4;
	(v2sf) =	vpush v5, $0x0  }
0x36: {  	s31 =	simm.s32 $0xFC0;
	vm8 =	vmor vm11, vm8;
	(v2sf) =	vpush v7, $0x0;
	v7 =	vimm.s32 $0x0  }
0x37: {  	v8 =	vld [tilespmem:s31+$0x30];
	vm5 =	vmor vm6, vm5;
	v5 =	vmpcnt.ones.xlane vm8;
	v7 =	vsel vm9, $0xFFFFFFFF, v7  }
0x38: {  	v9 =	vld [tilespmem:s31+$0x20];
	v11 =	vsel vm5, $0xFFFFFFFF, v11;
	(v2sf) =	vpush v10, $0x0;
	[tilespmem:$0x1FF90] =	vst v7;
	v7 =	vmpcnt.ones.xlane vm9  }
0x39: {  	vm1 =	vgt.f32 v17, $+Inf;
	vm7 =	vgt.f32 v15, $+Inf;
	(v2sf) =	vpush v5, $0x0;
	v10 =	vld [tilespmem:s31+$0x10];
	[tilespmem:$0x1FFA0] =	vst v11  }
0x3a: {  	v11 =	vmpcnt.ones.xlane vm5;
	vm5 =	vmor vm7, vm2;
	(v2sf) =	vpush v7, $0x0;
	v7 =	vld [tilespmem:s31+$0xFFFFFFF0]  }
0x3b: {  	vm1 =	vmor vm1, vm0;
	vm2 =	vmmov vm12;
	v5 =	vmpcnt.ones.xlane vm5;
	v18 =	vld [tilespmem:s31+$0xFFFFFFC0]  }
0x3c: {  	v16 =	vmpcnt.ones.xlane vm1;
	v19 =	vsel vm2, $0xFFFFFFFF, v19;
	(v2sf) =	vpush v11, $0x0;
	v11 =	vld [tilespmem:s31+$0xFFFFFFE0]  }
0x3d: {  	vm2 =	vmmov vm4;
	(v2sf) =	vpush v5, $0x0;
	v5 =	vld [tilespmem:s31+$0xFFFFFFD0];
	[tilespmem:$0x1FFB0] =	vst v19;
	v19 =	vimm.s32 $0x0  }
0x3e: {  	vm6 =	vmmov vm1;
	v19 =	vsel vm2, $0xFFFFFFFF, v19  }
0x3f: {  	vm1 =	vmmov vm8;
	(v2sf) =	vpush v16, $0x0;
	v16 =	vld [tilespmem:s31+$0x0];
	[tilespmem:$0x1FFC0] =	vst v19;
	v19 =	vimm.s32 $0x0  }
0x40: {  	v19 =	vsel vm1, $0xFFFFFFFF, v19  }
0x41: {  	vm1 =	vlt.f32 v8, $+Inf;
	[tilespmem:$0x1FFD0] =	vst v19;
	v19 =	vimm.s32 $0x0  }
0x42: {  	v19 =	vsel vm1, $0xFFFFFFFF, v19  }
0x43: {  	vm1 =	vgt.f32 v8, $+Inf;
	[tilespmem:$0x1FFE0] =	vst v19;
	v19 =	vimm.s32 $0x0  }
0x44: {  	v19 =	vsel vm1, $0xFFFFFFFF, v19  }
0x45: {  	s16 =	simm.s32 $0x40;
	[tilespmem:$0x1FFF0] =	vst v19  }
0x46: {  	vm13 =	vlt.f32 v9, $+Inf;
	vm15 =	vgt.f32 v9, $+Inf;
	v24 =	vld [tilespmem:s16+$0xFFFFFFC0]  }
0x47: {  	vm0 =	vmmov vm3;
	vm2 =	vlt.f32 v18, $+Inf;
	vm3 =	vgt.f32 v18, $+Inf;
	v19 =	vld [tilespmem:s16+$0xFFFFFFD0]  }
0x48: {  	vm14 =	vlt.f32 v10, $+Inf;
	vm12 =	vmor vm3, vm2;
	vm8 =	vlt.f32 v11, $+Inf;
	v20 =	vld [tilespmem:s16+$0xFFFFFFE0]  }
0x49: {  	vm2 =	vlt.f32 v5, $+Inf;
	vm3 =	vgt.f32 v5, $+Inf;
	v28 =	vmpcnt.ones.xlane vm12;
	v21 =	vld [tilespmem:s16+$0xFFFFFFF0]  }
0x4a: {  	vm7 =	vmor vm3, vm2;
	vm2 =	vgt.f32 v11, $+Inf;
	vm3 =	vlt.f32 v16, $+Inf;
	v22 =	vld [tilespmem:s16+$0x0]  }
0x4b: {  	vm1 =	vlt.f32 v7, $+Inf;
	vm8 =	vmor vm2, vm8;
	vm2 =	vgt.f32 v7, $+Inf;
	v23 =	vld [tilespmem:s16+$0x10]  }
0x4c: {  	s19 =	simm.s32 $0x1040;
	vm11 =	vgt.f32 v16, $+Inf;
	v27 =	vmpcnt.ones.xlane vm7;
	vm9 =	vmor vm2, vm1;
	s20 =	spop (v2sf);
	[tilespmem:s17+$0x1E00] =	vst.msk vm0, v24;
	v24 =	vld [tilespmem:s16+$0x20]  }
0x4d: {  	s18 =	simm.s32 $0x8;
	v26 =	vmpcnt.ones.xlane vm8;
	(v2sf) =	vpush v28, $0x0;
	vm1 =	vgt.f32 v10, $+Inf;
	[tilespmem:s17+$0x6980] =	vst.msk vm0, v25;
	s17 =	sadd.s32 s17, s20;
	v25 =	vld [tilespmem:s16+$0x30];
	s20 =	spop (v2sf)  }
.LBB2_3:
0x4e: {  	_ = 	snop  }
0x4f: {  	(v2sf) =	vpush v27, $0x0;
	v27 =	vld [tilespmem:$0x1FFB0];
	_ =	sdelay $0x4  }
0x50: {  	vm4 =	vnez.u8 v27  }
0x51: {  	v29 =	vmpcnt.ones.xlane vm9;
	s20 =	sadd.s32 s17, s20;
	s21 =	spop (v2sf);
	[tilespmem:s17+$0x1E00] =	vst.msk vm4, v19;
	v19 =	vld [tilespmem:$0x1FF90]  }
0x52: {  	s21 =	sadd.s32 s20, s21;
	s22 =	spop (v2sf);
	(v2sf) =	vpush v26, $0x0  }
0x53: {  	s23 =	sadd.s32 s21, s22;
	s26 =	spop (v2sf);
	(v2sf) =	vpush v29, $0x0;
	v29 =	vld [tilespmem:$0x1FFD0]  }
0x54: {  	s24 =	sadd.s32 s23, s26;
	s28 =	spop (v2sf)  }
0x55: {  	v28 =	vld [tilespmem:s19+$0x30];
	s25 =	sadd.s32 s24, s28;
	s29 =	spop (v2sf)  }
0x56: {  	v30 =	vld [tilespmem:$0x1FFE0];
	s26 =	sadd.s32 s25, s29;
	vm0 =	vnez.u8 v19  }
0x57: {  	v26 =	vld [tilespmem:$0x1FFC0];
	[tilespmem:s26+$0x1E00] =	vst.msk vm6, v25;
	vm10 =	vmmov vm0;
	vm0 =	vmor vm11, vm3  }
0x58: {  	v63 =	vld [tilespmem:$0x1FFF0];
	[tilespmem:s26+$0x6980] =	vst.msk vm6, v17;
	vm3 =	vmmov vm5;
	vm5 =	vmor vm15, vm13;
	vm13 =	vnez.u8 v29  }
0x59: {  	v27 =	vimm.s32 $0x0;
	v19 =	vld [tilespmem:$0x1FFA0];
	[tilespmem:s21+$0x1E00] =	vst.msk vm13, v21  }
0x5a: {  	v27 =	vsel vm0, $0xFFFFFFFF, v27;
	v21 =	vld [tilespmem:s19+$0x0];
	[tilespmem:s23+$0x1E00] =	vst.msk vm10, v22  }
0x5b: {  	v25 =	vimm.s32 $0x0;
	[tilespmem:$0x1FF90] =	vst v27;
	v27 =	vmpcnt.ones.xlane vm0  }
0x5c: {  	vm0 =	vmor vm1, vm14;
	vm14 =	vnez.u8 v26;
	v26 =	vimm.s32 $0x0;
	[tilespmem:s23+$0x6980] =	vst.msk vm10, v13  }
0x5d: {  	v29 =	vmpcnt.ones.xlane vm5;
	vm1 =	vnez.u8 v63;
	[tilespmem:s20+$0x1E00] =	vst.msk vm14, v20;
	v26 =	vsel vm0, $0xFFFFFFFF, v26  }
0x5e: {  	vm2 =	vnez.u8 v19;
	[tilespmem:$0x1FFA0] =	vst v26;
	v26 =	vmpcnt.ones.xlane vm0;
	vm0 =	vnez.u8 v30  }
0x5f: {  	v19 =	vld [tilespmem:s19+$0x20];
	(v2sf) =	vpush v27, $0x0;
	[tilespmem:s25+$0x1E00] =	vst.msk vm3, v24;
	v24 =	vimm.s32 $0x0;
	vm11 =	vmmov vm2  }
0x60: {  	vm1 =	vmor vm1, vm0;
	vm2 =	vmmov vm4;
	vm4 =	vmmov vm7;
	[tilespmem:s25+$0x6980] =	vst.msk vm3, v15  }
0x61: {  	v20 =	vld [tilespmem:s19+$0x10];
	vm0 =	vmmov vm12;
	v27 =	vmpcnt.ones.xlane vm1;
	[tilespmem:s24+$0x1E00] =	vst.msk vm11, v23;
	v24 =	vsel vm4, $0xFFFFFFFF, v24  }
0x62: {  	(v2sf) =	vpush v26, $0x0;
	vm6 =	vmmov vm1;
	vm1 =	vmmov vm9;
	[tilespmem:$0x1FFB0] =	vst v24  }
0x63: {  	v17 =	vmovc v8;
	v8 =	vmovc v28;
	v22 =	vld [tilespmem:s19+$0xFFFFFFF0];
	vm4 =	vmmov vm8;
	v24 =	vimm.s32 $0x0;
	v25 =	vsel vm1, $0xFFFFFFFF, v25;
	[tilespmem:s24+$0x6980] =	vst.msk vm11, v14  }
0x64: {  	v23 =	vld [tilespmem:s19+$0xFFFFFFE0];
	vm1 =	vlt.f32 v8, $+Inf;
	v24 =	vsel vm4, $0xFFFFFFFF, v24;
	[tilespmem:$0x1FFD0] =	vst v25;
	v25 =	vimm.s32 $0x0  }
0x65: {  	vm7 =	vmmov vm14;
	(v2sf) =	vpush v29, $0x0;
	v29 =	vld [tilespmem:s19+$0xFFFFFFC0];
	[tilespmem:$0x1FFC0] =	vst v24;
	v25 =	vsel vm1, $0xFFFFFFFF, v25  }
0x66: {  	s16 =	sadd.s32 $0x80, s16;
	vm8 =	vmmov vm13;
	v24 =	vld [tilespmem:s19+$0xFFFFFFD0];
	vm1 =	vgt.f32 v8, $+Inf;
	[tilespmem:$0x1FFE0] =	vst v25;
	v25 =	vimm.s32 $0x0  }
0x67: {  	v13 =	vmovc v16;
	vm3 =	vlt.f32 v21, $+Inf;
	v16 =	vmovc v21;
	vm11 =	vgt.f32 v21, $+Inf;
	v21 =	vld [tilespmem:s16+$0xFFFFFFF0];
	[tilespmem:s21+$0x6980] =	vst.msk vm8, v12;
	v25 =	vsel vm1, $0xFFFFFFFF, v25  }
0x68: {  	s18 =	sadd.s32 $0x8, s18;
	s30 =	spop (v2sf);
	vm9 =	vlt.f32 v22, $+Inf;
	v12 =	vmovc v7;
	v7 =	vmovc v22;
	(v2sf) =	vpush v27, $0x0;
	vm14 =	vlt.f32 v20, $+Inf;
	[tilespmem:$0x1FFF0] =	vst v25;
	v25 =	vld [tilespmem:s16+$0xFFFFFFC0]  }
0x69: {  	p2 =	slt.u32 s18, $0xE8;
	v15 =	vmovc v9;
	vm13 =	vlt.f32 v19, $+Inf;
	v9 =	vmovc v19;
	v19 =	vld [tilespmem:s16+$0xFFFFFFD0];
	[tilespmem:s17+$0x6980] =	vst.msk vm2, v4;
	vm2 =	vgt.f32 v7, $+Inf;
	vm1 =	vgt.f32 v20, $+Inf  }
.Ltmp2:
0x6a: {  	v14 =	vmovc v10;
	v22 =	vld [tilespmem:s16+$0x0];
	v10 =	vmovc v20;
	vm4 =	vlt.f32 v23, $+Inf;
	vm10 =	vlt.f32 v29, $+Inf;
	vm12 =	vgt.f32 v29, $+Inf;
	(pc) =	sbr.rel @p2 .LBB2_3-.Ltmp2, $4  }
0x6b: {  	v20 =	vld [tilespmem:s16+$0xFFFFFFE0];
	[tilespmem:s20+$0x6980] =	vst.msk vm7, v6;
	v6 =	vmovc v11;
	v11 =	vmovc v23;
	vm12 =	vmor vm12, vm10;
	vm8 =	vlt.f32 v24, $+Inf;
	vm10 =	vgt.f32 v24, $+Inf  }
0x6c: {  	s22 =	sadd.s32 s26, s30;
	v23 =	vld [tilespmem:s16+$0x10];
	v28 =	vmpcnt.ones.xlane vm12;
	vm7 =	vmor vm10, vm8;
	vm8 =	vgt.f32 v11, $+Inf  }
0x6d: {  	s31 =	spop (v2sf);
	v4 =	vmovc v5;
	vm15 =	vgt.f32 v9, $+Inf;
	vm9 =	vmor vm2, vm9;
	v5 =	vmovc v24;
	v24 =	vld [tilespmem:s16+$0x20];
	vm8 =	vmor vm8, vm4;
	[tilespmem:s22+$0x1E00] =	vst.msk vm0, v25  }
0x6e: {  	s19 =	sadd.s32 $0x80, s19;
	s17 =	sadd.s32 s22, s31;
	s20 =	spop (v2sf);
	v27 =	vmpcnt.ones.xlane vm7;
	(v2sf) =	vpush v28, $0x0;
	v26 =	vmpcnt.ones.xlane vm8;
	v25 =	vld [tilespmem:s16+$0x30];
	[tilespmem:s22+$0x6980] =	vst.msk vm0, v18;
	v18 =	vmovc v29  }
0x6f: {  	s18 =	sadd.s32 s17, s20;
	s19 =	spop (v2sf)  }
0x70: {  	s19 =	sadd.s32 s18, s19;
	s25 =	spop (v2sf)  }
0x71: {  	s20 =	sadd.s32 s19, s25;
	s21 =	spop (v2sf)  }
0x72: {  	s21 =	sadd.s32 s20, s21;
	s22 =	spop (v2sf)  }
0x73: {  	vm10 =	vmmov vm5;
	s22 =	sadd.s32 s21, s22  }
0x74: {  	s23 =	spop (v2sf);
	[tilespmem:s22+$0x1E00] =	vst.msk vm10, v24  }
0x75: {  	s23 =	sadd.s32 s22, s23;
	[tilespmem:s22+$0x6980] =	vst.msk vm10, v15  }
0x76: {  	[tilespmem:s23+$0x1E00] =	vst.msk vm6, v25  }
0x77: {  	[tilespmem:s23+$0x6980] =	vst.msk vm6, v17  }
0x78: {  	v15 =	vld [tilespmem:$0x1FFA0];
	_ =	sdelay $0x4  }
0x79: {  	vm0 =	vmor vm11, vm3;
	vm11 =	vnez.u8 v15  }
0x7a: {  	vm3 =	vmmov vm11  }
0x7b: {  	[tilespmem:s21+$0x1E00] =	vst.msk vm3, v23  }
0x7c: {  	[tilespmem:s21+$0x6980] =	vst.msk vm3, v14  }
0x7d: {  	v14 =	vld [tilespmem:$0x1FF90];
	_ =	sdelay $0x4  }
0x7e: {  	vm2 =	vmor vm15, vm13;
	vm13 =	vnez.u8 v14  }
0x7f: {  	vm3 =	vmmov vm13  }
0x80: {  	[tilespmem:s20+$0x1E00] =	vst.msk vm3, v22  }
0x81: {  	[tilespmem:s20+$0x6980] =	vst.msk vm3, v13  }
0x82: {  	v28 =	vmpcnt.ones.xlane vm9;
	(v2sf) =	vpush v27, $0x0;
	v13 =	vld [tilespmem:$0x1FFD0]  }
0x83: {  	vm1 =	vmor vm1, vm14;
	v50 =	vmpcnt.ones.xlane vm0;
	(v2sf) =	vpush v26, $0x0  }
0x84: {  	v51 =	vmpcnt.ones.xlane vm1;
	(v2sf) =	vpush v28, $0x0  }
0x85: {  	v52 =	vmpcnt.ones.xlane vm2;
	(v2sf) =	vpush v50, $0x0  }
0x86: {  	(v2sf) =	vpush v51, $0x0  }
0x87: {  	(v2sf) =	vpush v52, $0x0;
	vm14 =	vnez.u8 v13  }
0x88: {  	[tilespmem:s19+$0x1E00] =	vst.msk vm14, v21;
	vm3 =	vmmov vm14  }
0x89: {  	[tilespmem:s19+$0x6980] =	vst.msk vm3, v12  }
0x8a: {  	v54 =	vld [tilespmem:$0x1FFE0]  }
0x8b: {  	v55 =	vld [tilespmem:$0x1FFF0]  }
0x8c: {  	v56 =	vld [tilespmem:$0x1FFC0];
	_ =	sdelay $0x2  }
0x8d: {  	s26 =	spop (v2sf)  }
0x8e: {  	s16 =	sadd.s32 $0x80, s16;
	s28 =	spop (v2sf);
	s20 =	sadd.s32 s23, s26  }
0x8f: {  	v53 =	vld [tilespmem:s16+$0xFFFFFFC0];
	s29 =	spop (v2sf);
	s19 =	sadd.s32 s20, s28;
	vm15 =	vnez.u8 v54;
	vm4 =	vnez.u8 v55;
	vm10 =	vnez.u8 v56  }
0x90: {  	v58 =	vld [tilespmem:s16+$0x30];
	s30 =	spop (v2sf);
	s21 =	sadd.s32 s19, s29;
	vm3 =	vmor vm4, vm15;
	[tilespmem:s18+$0x1E00] =	vst.msk vm10, v20;
	vm4 =	vmmov vm10  }
0x91: {  	v60 =	vld [tilespmem:s16+$0x10];
	s25 =	spop (v2sf);
	s31 =	sadd.s32 s21, s30;
	[tilespmem:s18+$0x6980] =	vst.msk vm4, v6  }
0x92: {  	s26 =	spop (v2sf);
	s22 =	sadd.s32 s31, s25;
	v59 =	vld [tilespmem:$0x1FFB0]  }
0x93: {  	s29 =	spop (v2sf);
	s28 =	sadd.s32 s22, s26  }
0x94: {  	vm12 =	vmmov vm12;
	s24 =	spop (v2sf);
	s23 =	sadd.s32 s28, s29;
	v57 =	vmpcnt.ones.xlane vm3  }
0x95: {  	v61 =	vld [tilespmem:s16+$0x0];
	s30 =	sadd.s32 s23, s24;
	vm3 =	vmmov vm3;
	[tilespmem:s20+$0x1E00] =	vst.msk vm12, v53  }
0x96: {  	vm1 =	vmmov vm1;
	v62 =	vld [tilespmem:s16+$0xFFFFFFE0];
	[tilespmem:s30+$0x1E00] =	vst.msk vm3, v58;
	(v2sf) =	vpush v57, $0x0  }
0x97: {  	v63 =	vld [tilespmem:s16+$0xFFFFFFD0];
	[tilespmem:s28+$0x1E00] =	vst.msk vm1, v60;
	vm11 =	vnez.u8 v59  }
0x98: {  	[tilespmem:s17+$0x1E00] =	vst.msk vm11, v19;
	vm4 =	vmmov vm11  }
0x99: {  	vm0 =	vmmov vm0;
	[tilespmem:s17+$0x6980] =	vst.msk vm4, v4;
	v4 =	vld [tilespmem:s16+$0x20]  }
0x9a: {  	vm14 =	vmmov vm8;
	[tilespmem:s22+$0x1E00] =	vst.msk vm0, v61  }
0x9b: {  	vm15 =	vmmov vm7;
	[tilespmem:s21+$0x1E00] =	vst.msk vm14, v62  }
0x9c: {  	[tilespmem:s19+$0x1E00] =	vst.msk vm15, v63  }
0x9d: {  	vm2 =	vmmov vm2;
	[tilespmem:s20+$0x6980] =	vst.msk vm12, v18  }
0x9e: {  	[tilespmem:s23+$0x1E00] =	vst.msk vm2, v4;
	v4 =	vld [tilespmem:s16+$0xFFFFFFF0]  }
0x9f: {  	[tilespmem:s30+$0x6980] =	vst.msk vm3, v8  }
0xa0: {  	s15 =	sadd.s32 $0x1, s15;
	[tilespmem:s28+$0x6980] =	vst.msk vm1, v10  }
0xa1: {  	p2 =	sne.s32 s15, $0x5;
	[tilespmem:s22+$0x6980] =	vst.msk vm0, v16  }
.Ltmp3:
0xa2: {  	vm13 =	vmmov vm9;
	[tilespmem:s23+$0x6980] =	vst.msk vm2, v9;
	(pc) =	sbr.rel @p2 .LBB2_2-.Ltmp3, $4  }
0xa3: {  	vm0 =	vmmov vm13;
	[tilespmem:s31+$0x1E00] =	vst.msk vm13, v4  }
0xa4: {  	[tilespmem:s31+$0x6980] =	vst.msk vm0, v7;
	vm0 =	vmmov vm14  }
0xa5: {  	s31 =	spop (v2sf);
	[tilespmem:s21+$0x6980] =	vst.msk vm0, v11;
	vm0 =	vmmov vm15  }
0xa6: {  	s17 =	sadd.s32 s30, s31;
	[tilespmem:s19+$0x6980] =	vst.msk vm0, v5  }
0xa7: {  	s15 =	sadd.s32 $0xF, s17  }
0xa8: {  	s16 =	sand.u32 $0xF, s15  }
0xa9: {  	s18 =	sshra.s32 s15, $0x1F;
	p2 =	slt.s32 s15, $0x1;
	p3 =	sne.s32 s16, $0x0  }
0xaa: {  	s28 =	sshrl.u32 s18, $0x1C;
	p2 =	por !p2, !p3  }
0xab: {  	s16 =	simm.s32 $0x1;
	s15 =	sadd.s32 s28, s15;
	p2 =	por !p2, !p2  }
0xac: {  	s15 =	sshra.s32 s15, $0x4;
	s16 =	simm.s32 @!p2 $0x0  }
0xad: {  	s16 =	ssub.s32 s15, s16  }
0xae: {  	s15 =	sshll.u32 s16, $0x4;
	s16 =	sand.u32 $0x1F, s16  }
0xaf: {  	s29 =	sshra.s32 s15, $0x1F;
	p5 =	slt.s32 s15, $0x1;
	p6 =	sne.s32 s16, $0x0  }
0xb0: {  	[tilespmem:s17+$0x1E00] =	vst v2;
	s30 =	sshrl.u32 s29, $0x17;
	p2 =	por !p5, !p6  }
0xb1: {  	[tilespmem:s17+$0x6980] =	vst v3;
	s17 =	simm.s32 $0x1;
	s16 =	sadd.s32 s30, s15;
	p2 =	por !p2, !p2  }
0xb2: {  	s16 =	sshra.s32 s16, $0x9;
	s17 =	simm.s32 @!p2 $0x0  }
0xb3: {  	[sflag:s11] =	ssyncset.done $0x0;
	s16 =	ssub.s32 s16, s17  }
0xb4: {  	[smem:s4], [sflag:$0x1] =	smem.add.s32 s15;
	p2 =	slt.s32 s16, $0x1  }
.Ltmp4:
0xb5: {  	_ =	swait.done [sflag:s11];
	(pc) =	sbr.rel @p2 .LBB2_9-.Ltmp4, $3  }
0xb6: {  	s31 =	ssyncread [sflag:$0x1];
	_ =	sdelay $0x1  }
0xb7: {  	[sflag:s11] =	ssyncset.s32 $0x0  }
0xb8: {  	[sflag:s11] =	ssyncset.done $0x0;
	s17 =	sshll.u32 s31, $0x2  }
0xb9: {  	s19 =	sshra.s32 s17, $0x2  }
0xba: {  	s18 =	simm.s32 $0x1E00;
	s22 =	sadd.s32 s19, s2  }
0xbb: {  	[spmem:s22] =	stream.linear.scatter [tilespmem:s18], [sflag:$0x3], $0x200, $0x38;
	[tilespmem:$0x1C800] =	vst v63  }
0xbc: {  	p2 =	sne.s32 s16, $0x1;
	_ =	swait.ge [sflag:s9], $0x200  }
.Ltmp5:
0xbd: {  	[sflag:s9] =	ssyncset.done $0x0;
	(pc) =	sbr.rel @!p2 .LBB2_8-.Ltmp5, $4  }
0xbe: {  	s21 =	sadd.s32 s19, s3;
	s19 =	simm.s32 $0x6980;
	[sflag:s9] =	ssyncadd.s32 $0xFFFFFE00  }
0xbf: {  	[spmem:s21] =	stream.linear.scatter [tilespmem:s19], [sflag:$0x3], $0x200, $0x38;
	[tilespmem:$0x1C800] =	vst v63  }
0xc0: {  	s20 =	sadd.s32 $0xFFFFFFFF, s16;
	_ =	swait.ge [sflag:s9], $0x200  }
0xc1: {  	s22 =	sadd.s32 $0x200, s22;
	s21 =	sadd.s32 $0x200, s21;
	[sflag:s9] =	ssyncset.done $0x0  }
.LBB2_7:
0xc2: {  	[sflag:s9] =	ssyncadd.s32 $0xFFFFFE00;
	s18 =	sadd.s32 $0x200, s18;
	s19 =	sadd.s32 $0x200, s19  }
0xc3: {  	[spmem:s22] =	stream.linear.scatter [tilespmem:s18], [sflag:$0x3], $0x200, $0x38;
	[tilespmem:$0x1C800] =	vst v63  }
0xc4: {  	p2 =	sne.s32 s20, $0x1;
	s20 =	sadd.s32 $0xFFFFFFFF, s20;
	_ =	swait.ge [sflag:s9], $0x200  }
.Ltmp6:
0xc5: {  	[sflag:s9] =	ssyncset.done $0x0;
	(pc) =	sbr.rel @p2 .LBB2_7-.Ltmp6, $4  }
0xc6: {  	[sflag:s9] =	ssyncadd.s32 $0xFFFFFE00  }
0xc7: {  	[spmem:s21] =	stream.linear.scatter [tilespmem:s19], [sflag:$0x3], $0x200, $0x38;
	[tilespmem:$0x1C800] =	vst v63  }
0xc8: {  	_ =	swait.ge [sflag:s9], $0x200  }
0xc9: {  	s22 =	sadd.s32 $0x200, s22;
	s21 =	sadd.s32 $0x200, s21;
	[sflag:s9] =	ssyncset.done $0x0  }
.LBB2_8:
0xca: {  	[sflag:s9] =	ssyncadd.s32 $0xFFFFFE00  }
.LBB2_9:
0xcb: {  	s18 =	sshll.u32 s16, $0x9  }
0xcc: {  	s15 =	ssub.s32 s15, s18  }
0xcd: {  	s18 =	sshra.s32 s15, $0x4  }
0xce: {  	p2 =	slt.s32 s18, $0x1  }
.Ltmp7:
0xcf: {  	_ = 	snop;
	(pc) =	sbr.rel @p2 .LBB2_13-.Ltmp7, $1  }
0xd0: {  	_ =	sdelay $0x3  }
0xd1: {  	s15 =	sshll.u32 s16, $0xB  }
0xd2: {  	s16 =	sadd.s32 s17, s15  }
0xd3: {  	s31 =	sshra.s32 s15, $0x2;
	s19 =	sshra.s32 s16, $0x2  }
0xd4: {  	s15 =	sadd.s32 $0x1E00, s31;
	s20 =	sadd.s32 s19, s2  }
0xd5: {  	[spmem:s20] =	stream.linear.scatter [tilespmem:s15], [sflag:$0x3], $0x10, $0x38;
	[tilespmem:$0x1C800] =	vst v63  }
0xd6: {  	p2 =	sne.s32 s18, $0x1;
	_ =	swait.ge [sflag:s9], $0x10  }
.Ltmp8:
0xd7: {  	[sflag:s9] =	ssyncset.done $0x0;
	(pc) =	sbr.rel @!p2 .LBB2_12-.Ltmp8, $4  }
0xd8: {  	s16 =	sadd.s32 $0x6980, s31;
	s19 =	sadd.s32 s19, s3;
	[sflag:s9] =	ssyncadd.s32 $0xFFFFFFF0  }
0xd9: {  	[spmem:s19] =	stream.linear.scatter [tilespmem:s16], [sflag:$0x3], $0x10, $0x38;
	[tilespmem:$0x1C800] =	vst v63  }
0xda: {  	s17 =	sadd.s32 $0xFFFFFFFF, s18;
	_ =	swait.ge [sflag:s9], $0x10  }
0xdb: {  	s18 =	sadd.s32 $0x10, s19;
	s19 =	sadd.s32 $0x10, s20;
	[sflag:s9] =	ssyncset.done $0x0  }
.LBB2_11:
0xdc: {  	[sflag:s9] =	ssyncadd.s32 $0xFFFFFFF0;
	s16 =	sadd.s32 $0x10, s16;
	s15 =	sadd.s32 $0x10, s15  }
0xdd: {  	[spmem:s19] =	stream.linear.scatter [tilespmem:s15], [sflag:$0x3], $0x10, $0x38;
	[tilespmem:$0x1C800] =	vst v63  }
0xde: {  	p2 =	sne.s32 s17, $0x1;
	s17 =	sadd.s32 $0xFFFFFFFF, s17;
	_ =	swait.ge [sflag:s9], $0x10  }
.Ltmp9:
0xdf: {  	[sflag:s9] =	ssyncset.done $0x0;
	(pc) =	sbr.rel @p2 .LBB2_11-.Ltmp9, $4  }
0xe0: {  	[sflag:s9] =	ssyncadd.s32 $0xFFFFFFF0  }
0xe1: {  	[spmem:s18] =	stream.linear.scatter [tilespmem:s16], [sflag:$0x3], $0x10, $0x38;
	[tilespmem:$0x1C800] =	vst v63  }
0xe2: {  	_ =	swait.ge [sflag:s9], $0x10  }
0xe3: {  	s19 =	sadd.s32 $0x10, s19;
	s18 =	sadd.s32 $0x10, s18;
	[sflag:s9] =	ssyncset.done $0x0  }
.LBB2_12:
0xe4: {  	[sflag:s9] =	ssyncadd.s32 $0xFFFFFFF0  }
.LBB2_13:
0xe5: {  	[bflag:$0x0] =	sbarrier.arrive $0xFFFF  }
0xe6: {  	[sflag:s12] =	ssyncset.done $0x0  }
.Ltmp10:
0xe7: {  	[smem:s4], [sflag:$0x2] =	smem.add.s32 $0x0;
	(pc) =	sbr.rel @p1 .LBB2_21-.Ltmp10, $4  }
0xe8: {  	_ =	swait.done [sflag:s12]  }
0xe9: {  	s15 =	ssyncread [sflag:$0x2]  }
0xea: {  	[sflag:s12] =	ssyncset.s32 $0x0  }
0xeb: {  	[sflag:s12] =	ssyncset.done $0x0  }
0xec: {  	s17 =	simm.s32 $0xB540  }
0xed: {  	[tilespmem:s17+$0xFFFFFFC0] =	vst v3  }
0xee: {  	[tilespmem:s17+$0x30] =	vst v3  }
0xef: {  	[tilespmem:s17+$0x20] =	vst v3  }
0xf0: {  	[tilespmem:s17+$0x10] =	vst v3  }
0xf1: {  	[tilespmem:s17+$0x0] =	vst v3  }
0xf2: {  	[tilespmem:s17+$0xFFFFFFF0] =	vst v3  }
0xf3: {  	s16 =	simm.s32 $0x0;
	[tilespmem:s17+$0xFFFFFFE0] =	vst v3  }
.LBB2_15:
0xf4: {  	s16 =	sadd.s32 $0x8, s16;
	[tilespmem:s17+$0xFFFFFFD0] =	vst v3;
	s17 =	sadd.s32 $0x80, s17  }
0xf5: {  	[tilespmem:s17+$0xFFFFFFC0] =	vst v3;
	p2 =	slt.u32 s16, $0x778  }
0xf6: {  	[tilespmem:s17+$0x30] =	vst v3  }
.Ltmp11:
0xf7: {  	[tilespmem:s17+$0x20] =	vst v3;
	(pc) =	sbr.rel @p2 .LBB2_15-.Ltmp11, $4  }
0xf8: {  	[tilespmem:s17+$0x10] =	vst v3  }
0xf9: {  	[tilespmem:s17+$0x0] =	vst v3  }
0xfa: {  	[tilespmem:s17+$0xFFFFFFF0] =	vst v3  }
0xfb: {  	[tilespmem:s17+$0xFFFFFFE0] =	vst v3  }
0xfc: {  	s16 =	sadd.s32 $0x7FF, s15  }
0xfd: {  	s18 =	sand.u32 $0x7FF, s16  }
0xfe: {  	s31 =	sshra.s32 s16, $0x1F;
	p3 =	slt.s32 s16, $0x1;
	p2 =	sne.s32 s18, $0x0  }
0xff: {  	s18 =	sshrl.u32 s31, $0x15;
	p2 =	por !p3, !p2  }
0x100: {  	s16 =	sadd.s32 s18, s16;
	s18 =	simm.s32 $0x1;
	p2 =	por !p2, !p2  }
0x101: {  	s16 =	sshra.s32 s16, $0xB;
	s18 =	simm.s32 @!p2 $0x0  }
0x102: {  	s16 =	ssub.s32 s16, s18  }
0x103: {  	p2 =	slt.s32 s16, $0x1  }
.Ltmp12:
0x104: {  	_ = 	snop;
	(pc) =	sbr.rel @!p2 .LBB2_17-.Ltmp12, $4  }
.Ltmp13:
0x105: {  	_ = 	snop;
	(pc) =	sbr.rel @p2 .LBB2_20-.Ltmp13, $4  }
0x106: {  	_ = 	snop  }
0x107: {  	_ = 	snop  }
0x108: {  	[tilespmem:s17+$0xFFFFFFD0] =	vst v3;
	s17 =	simm.s32 $0x0;
	s18 =	simm.s32 $0x0  }
0x109: {  	_ = 	snop  }
.LBB2_19:
0x10a: {  	s18 =	sadd.s32 $0x1, s18  }
0x10b: {  	p2 =	sne.s32 s18, s16  }
.Ltmp14:
0x10c: {  	_ = 	snop;
	(pc) =	sbr.rel @!p2 .LBB2_20-.Ltmp14, $1  }
0x10d: {  	_ =	sdelay $0x3  }
.LBB2_17:
0x10e: {  	s20 =	sshll.u32 s18, $0xB  }
0x10f: {  	s19 =	sadd.s32 s20, s2  }
0x110: {  	[tilespmem:s17], [sflag:$0x3] =	stream.linear.gather [spmem:s19], $0x800, $0x38;
	[tilespmem:$0x1C800] =	vst v63  }
0x111: {  	_ =	swait.ge [sflag:s9], $0x800  }
0x112: {  	[sflag:s9] =	ssyncset.done $0x0  }
0x113: {  	s21 =	sadd.s32 s20, s3;
	s19 =	simm.s32 $0xF00;
	[sflag:s9] =	ssyncadd.s32 $0xFFFFF800  }
0x114: {  	[tilespmem:s19], [sflag:$0x3] =	stream.linear.gather [spmem:s21], $0x800, $0x38;
	[tilespmem:$0x1C800] =	vst v63  }
0x115: {  	s21 =	ssub.s32 s15, s20  }
0x116: {  	p3 =	sne.s32 s15, s20;
	s20 =	simm.s32 $0x1;
	p2 =	slt.s32 s21, $0x800  }
0x117: {  	s22 =	sshra.s32 s21, $0x1F;
	s20 =	simm.s32 @!p3 $0x0;
	s21 =	simm.s32 @!p2 $0x800  }
0x118: {  	s20 =	sor.u32 s20, s22;
	s30 =	sand.u32 $0xF, s21  }
0x119: {  	s23 =	sshra.s32 s21, $0x1F;
	p5 =	sne.s32 s20, $0x1;
	p6 =	sne.s32 s30, $0x0  }
0x11a: {  	s31 =	sshrl.u32 s23, $0x1C;
	p2 =	por !p5, !p6  }
0x11b: {  	s20 =	sadd.s32 s31, s21;
	s21 =	simm.s32 $0x1;
	p2 =	por !p2, !p2  }
0x11c: {  	s20 =	sshra.s32 s20, $0x4;
	s21 =	simm.s32 @!p2 $0x0  }
0x11d: {  	s20 =	ssub.s32 s20, s21  }
0x11e: {  	p2 =	slt.s32 s20, $0x1  }
.Ltmp15:
0x11f: {  	_ = 	snop;
	(pc) =	sbr.rel @p2 .LBB2_19-.Ltmp15, $4  }
0x120: {  	_ = 	snop  }
0x121: {  	_ =	swait.ge [sflag:s9], $0x800  }
0x122: {  	[sflag:s9] =	ssyncset.done $0x0  }
0x123: {  	[sflag:s9] =	ssyncadd.s32 $0xFFFFF800;
	s21 =	simm.s32 $0x0  }
.LBB2_18:
0x124: {  	v4 =	vld [tilespmem:s21+$0x0];
	_ =	sdelay $0x1  }
0x125: {  	v5 =	vld [tilespmem:s19+$0x0];
	_ =	sdelay $0x2  }
0x126: {  	vm0 =	vge.s32 v4, v0;
	vm1 =	vlt.s32 v4, v1  }
0x127: {  	vm0 =	vmand vm0, vm1  }
0x128: {  	v4 =	vsub.s32 v4, v0;
	v5 =	vnsel vm0, $0x7F800000, v5  }
0x129: {  	(xrf1) =	vsort.dscd.msk.f32 $0xffff, v5, v4;
	_ =	sdelay $0xd  }
0x12a: {  	v4, v5, _ =	vpop (xrf1)  }
0x12b: {  	vm13 =	vlt.f32 v4, $+Inf;
	vm14 =	vgt.f32 v4, $+Inf  }
0x12c: {  	vm0 =	vmor vm14, vm13  }
0x12d: {  	v5 =	vnsel vm0, $0x0, v5;
	_ =	sdelay $0x4  }
0x12e: {  	v6 =	vld.idx.msk [tilespmem:v5+s13+$0x0], $0xffff;
	_ =	sdelay $0x4  }
0x12f: {  	vm15 =	vlt.f32 v4, v6  }
0x130: {  	vm0 =	vmand vm0, vm15  }
0x131: {  	p2 =	sne.s32 s20, $0x1  }
.Ltmp16:
0x132: {  	_ = 	snop;
	(pc) =	sbr.rel @p2 .LBB2_18-.Ltmp16, $2  }
0x133: {  	_ =	sdelay $0x2  }
0x134: {  	s21 =	sadd.s32 $0x10, s21;
	s19 =	sadd.s32 $0x10, s19;
	s20 =	sadd.s32 $0xFFFFFFFF, s20;
	[tilespmem:v5+s13+$0x0] =	vst.idx.msk vm0, v4  }
.Ltmp17:
0x135: {  	_ = 	snop;
	(pc) =	sbr.rel .LBB2_19-.Ltmp17, $1  }
0x136: {  	_ =	sdelay $0x3  }
.LBB2_22:
0x137: {  	_ =	sfence.sel $0x180000  }
0x138: {  	[bflag:$0x0] =	sbarrier.arrive $0xFFFF  }
0x139: {  	_ =	strace $0x90000047  }
0x13a: {  	s0 =	sadd.s32 @!p0 $0x100000, s1;
	[bflag:$0x2] =	sbarrier.arrive $0xFFFF  }
0x13b: {  	[sflag:s0] =	ssyncadd.tile.s32 @!p0 $0x1;
	_ =	shalt  }
.Lfunc_end2:
_tile_overlayer_lowered:
.L_overlay_start_2:
0x13c: {  	(tag) =	ssettag $0x2  }
0x13d: {  	s0 =	rddreg [dreg:$0x0];
	s2 =	stileid.u32  }
0x13e: {  	s1 =	rddreg [dreg:$0x1];
	p0 =	sne.s32 s2, $0x0  }
0x13f: {  	s3 =	rddreg [dreg:$0x2];
	[bflag:$0x3] =	sbarrier.arrive $0xFFFF;
	s2 =	simm.s32 @!p0 $0x1C01  }
0x140: {  	[timem:s3], [sflag:s2] =	dma.local @!p0 [hbm:s0], s1  }
0x141: {  	s0 =	simm.s32 @!p0 $0x1  }
0x142: {  	_ =	swait.ge @!p0 [sflag:s0], s1  }
0x143: {  	s1 =	ssub.s32 @!p0 $0x0, s1;
	[sflag:s0] =	ssyncset.done @!p0 $0x0  }
0x144: {  	[sflag:s0] =	ssyncadd.s32 @!p0 s1  }
0x145: {  	[bflag:$0x3] =	sbarrier.arrive $0xFFFF  }
0x146: {  	_ =	shalt  }

</sc_bundles>
